<compile_context>
chip_gen: v7x
topology: tpu7x:2x2x1
jax: 0.10.2.dev20260603
libtpu: 0.0.44.dev20260713+nightly
codegen_flags: <defaults>
</compile_context>

<pallas_src>
import functools

import jax
import jax.numpy as jnp
from jax import lax
from jax.experimental import pallas as pl
from jax.experimental.pallas import tpu as pltpu
from jax.experimental.pallas import tpu_sc as plsc

_NC = 2
_NS = 16
_NW = _NC * _NS
_L = 16


def _sc_gather_call(emb_table, conn_t, ids):
  n = ids.shape[0]
  es = emb_table.shape[1]
  kk = conn_t.shape[0]
  v = conn_t.shape[2]
  assert n % _NW == 0 and kk == _NW and n % _L == 0
  per_w = n // _NW
  n_chunks = n // _L
  mesh = plsc.VectorSubcoreMesh(core_axis_name="c", subcore_axis_name="s",
                                num_cores=_NC, num_subcores=_NS)

  @functools.partial(
      pl.kernel,
      out_type=(
          jax.ShapeDtypeStruct((n, es), jnp.float32),
          jax.ShapeDtypeStruct((kk, n), jnp.int32),
      ),
      mesh=mesh,
      compiler_params=pltpu.CompilerParams(needs_layout_passes=False),
      scratch_types=[
          pltpu.VMEM((n,), jnp.int32),
          pltpu.VMEM((v,), jnp.int32),
          pltpu.VMEM((n,), jnp.int32),
          pltpu.VMEM((per_w, es), jnp.float32),
          pltpu.SemaphoreType.DMA,
          pltpu.SemaphoreType.DMA,
          pltpu.SemaphoreType.DMA,
      ],
  )
  def sc_kernel(emb_hbm, conn_hbm, ids_hbm, emb_out, rel_out,
                ids_v, row_v, out_v, rows_v, sem_e, sem_r, sem_o):
    wid = lax.axis_index("s") * _NC + lax.axis_index("c")
    base = wid * per_w
    cp_row = pltpu.async_copy(conn_hbm.at[wid, 0], row_v, sem_r)
    pltpu.sync_copy(ids_hbm, ids_v)
    cp_e = pltpu.async_copy(emb_hbm.at[ids_v.at[pl.ds(base, per_w)]],
                            rows_v, sem_e)
    cp_row.wait()

    def body(i, carry):
      idvec = ids_v[pl.ds(i * _L, _L)]
      out_v[pl.ds(i * _L, _L)] = plsc.load_gather(row_v, [idvec])
      return carry

    lax.fori_loop(0, n_chunks, body, 0, unroll=2)
    cp_o = pltpu.async_copy(out_v, rel_out.at[wid], sem_o)
    cp_e.wait()
    pltpu.sync_copy(rows_v, emb_out.at[pl.ds(base, per_w)])
    cp_o.wait()

  return sc_kernel(emb_table, conn_t, ids)


def _tc_body(bp, n_relp, kk, es, t,
             hemb_ref, temb_ref, hrel_ref, trel_ref,
             relp_ref, wbil_ref, w1_ref, w2_ref, bsum_ref,
             out_ref):
  hemb = hemb_ref[...]
  temb = temb_ref[...]
  weak = temb - hemb
  relp = relp_ref[...]
  p = jnp.dot(relp, wbil_ref[...],
              preferred_element_type=jnp.float32)
  s_t = lax.dot_general(p, weak, (((1,), (1,)), ((), ())),
                        preferred_element_type=jnp.float32)
  riota = lax.broadcasted_iota(jnp.int16, (n_relp, 1), 0)
  w1 = w1_ref[...]
  w2 = w2_ref[...]
  bsum = bsum_ref[...]

  def one_side(rel_t, emb, side):
    rel16 = rel_t.astype(jnp.int16)
    c = jnp.zeros((n_relp, bp), jnp.int16)
    for k in range(kk):
      row = rel16[k:k + 1, :]
      c = c + (row == riota).astype(jnp.int16)
    cf = c.astype(jnp.float32)
    s_masked = jnp.where(c > 0, s_t, -jnp.inf)
    m = jnp.max(s_masked, axis=0, keepdims=True)
    e = cf * jnp.exp(s_masked - m)
    z = jnp.sum(e, axis=0, keepdims=True)
    alpha = e / z
    agg = lax.dot_general(alpha, relp, (((0,), (0,)), ((), ())),
                          preferred_element_type=jnp.float32)
    h = lax.dot_general(agg, w1, (((1,), (1,)), ((), ())),
                        preferred_element_type=jnp.float32)
    h = h + lax.dot_general(emb, w2, (((1,), (1,)), ((), ())),
                            preferred_element_type=jnp.float32)
    h = jnp.maximum(h + bsum, 0.0)
    out_ref[:, :, side, :] = h.reshape(bp // t, t, es)

  one_side(hrel_ref[...], hemb, 0)
  one_side(trel_ref[...], temb, 1)


def kernel(idx, connections, emb_table, rel_table, W_bil, W1, b1, W2, b2):
  b, t = idx.shape[:2]
  kk = connections.shape[1]
  es = emb_table.shape[1]
  n_rel = rel_table.shape[0]
  n_relp = ((n_rel + 127) // 128) * 128
  n_pairs = b * t

  idx = idx.astype(jnp.int32)
  heads = idx[..., 0].reshape(-1)
  tails = idx[..., 1].reshape(-1)
  ids = jnp.concatenate([heads, tails])
  conn_t = jnp.transpose(connections.astype(jnp.int32), (1, 2, 0))

  ht_emb, rel_t = _sc_gather_call(emb_table, conn_t, ids)

  relp = jnp.pad(rel_table, ((0, n_relp - n_rel), (0, 0)))
  bsum = (b1 + b2).reshape(1, es)
  wbil = W_bil.reshape(es, es)

  bp = 1024
  assert n_pairs % bp == 0 and bp % t == 0
  nb = n_pairs // bp
  bt = bp // t

  grid_spec = pl.GridSpec(
      grid=(nb,),
      in_specs=[
          pl.BlockSpec((bp, es), lambda i: (i, 0)),
          pl.BlockSpec((bp, es), lambda i: (nb + i, 0)),
          pl.BlockSpec((kk, bp), lambda i: (0, i)),
          pl.BlockSpec((kk, bp), lambda i: (0, nb + i)),
          pl.BlockSpec((n_relp, es), lambda i: (0, 0)),
          pl.BlockSpec((es, es), lambda i: (0, 0)),
          pl.BlockSpec((es, es), lambda i: (0, 0)),
          pl.BlockSpec((es, es), lambda i: (0, 0)),
          pl.BlockSpec((1, es), lambda i: (0, 0)),
      ],
      out_specs=[
          pl.BlockSpec((bt, t, 2, es), lambda i: (i, 0, 0, 0)),
      ],
  )

  out = pl.pallas_call(
      functools.partial(_tc_body, bp, n_relp, kk, es, t),
      grid_spec=grid_spec,
      out_shape=[
          jax.ShapeDtypeStruct((b, t, 2, es), jnp.float32),
      ],
  )(ht_emb, ht_emb, rel_t, rel_t, relp, wbil, W1, W2, bsum)[0]

  return out

# --- scband reference (transcript-rebuilt; emitter-appended) ---
"""Pipeline reference for scband-embedding-one-hop-attention-38070590112248 (READ-ONLY COPY).

The authoritative reference and input builder live on the scoring server;
editing this copy changes nothing except your own understanding.
"""

import jax, jax.numpy as jnp
import numpy as np

NUM_ENT = 100000
NUM_REL = 500
ES = 128
K = 32
B = 16
T = 128

def setup_inputs(seed: int = 0) -> dict:
    key = jax.random.key(seed)
    ks = jax.random.split(key, 10)
    idx = jax.random.randint(ks[0], (B, T, 2), 0, NUM_ENT)
    rel_ids = jax.random.randint(ks[1], (NUM_ENT, K), 0, NUM_REL)
    ent_ids = jax.random.randint(ks[2], (NUM_ENT, K), 0, NUM_ENT)
    connections = jnp.stack([rel_ids, ent_ids], axis=-1)  # [NUM_ENT, K, 2] (rel, ent)
    emb_table = jax.random.normal(ks[3], (NUM_ENT, ES), dtype=jnp.float32) * 0.02
    rel_table = jax.random.normal(ks[4], (NUM_REL, ES), dtype=jnp.float32) * 0.02
    W_bil = jax.random.normal(ks[5], (1, ES, ES), dtype=jnp.float32) * 0.02
    W1 = jax.random.normal(ks[6], (ES, ES), dtype=jnp.float32) * 0.02
    b1 = jnp.zeros((ES,), dtype=jnp.float32)
    W2 = jax.random.normal(ks[7], (ES, ES), dtype=jnp.float32) * 0.02
    b2 = jnp.zeros((ES,), dtype=jnp.float32)
    return {"idx": idx, "connections": connections, "emb_table": emb_table,
            "rel_table": rel_table, "W_bil": W_bil, "W1": W1, "b1": b1, "W2": W2, "b2": b2}

def reference(idx, connections, emb_table, rel_table, W_bil, W1, b1, W2, b2):
    es = emb_table.shape[-1]
    # ht_emb = embedding(idx): [B, T, 2, es]
    ht_emb = jnp.take(emb_table, idx, axis=0)
    head_emb = ht_emb[:, :, 0:1, :]  # [B, T, 1, es]
    tail_emb = ht_emb[:, :, 1:2, :]  # [B, T, 1, es]
    weak_rel = (ht_emb[:, :, 1, :] - ht_emb[:, :, 0, :])[:, :, None, :]  # [B, T, 1, es]
    # one-hop neighbor lookup: connections[ent, :, 1]=entity, [..., 0]=relation
    conn = jnp.take(connections, idx, axis=0)  # [B, T, 2, K, 2]
    idx_conn = conn[..., 1]                    # [B, T, 2, K]
    ht_conn_emb = jnp.take(emb_table, idx_conn, axis=0)  # [B, T, 2, K, es] (computed as in torch; unused downstream)
    idx_conn_rel = conn[..., 0]                # [B, T, 2, K]
    rel_conn_emb = jnp.take(rel_table, idx_conn_rel, axis=0)  # [B, T, 2, K, es]
    head_rel_conn_emb = rel_conn_emb[:, :, 0, :, :]  # [B, T, K, es]
    tail_rel_conn_emb = rel_conn_emb[:, :, 1, :, :]  # [B, T, K, es]
    Kn = head_rel_conn_emb.shape[2]
    weak = jnp.broadcast_to(weak_rel, weak_rel.shape[:2] + (Kn, es))  # [B, T, K, es]
    # nn.Bilinear(es, es, 1, bias=False): score = x1 W x2^T, W: [1, es, es]
    head_score = jnp.einsum('btki,ij,btkj->btk', head_rel_conn_emb, W_bil[0], weak)
    tail_score = jnp.einsum('btki,ij,btkj->btk', tail_rel_conn_emb, W_bil[0], weak)
    head_att = jax.nn.softmax(head_score, axis=2)[:, :, None, :]  # [B, T, 1, K]
    tail_att = jax.nn.softmax(tail_score, axis=2)[:, :, None, :]
    head = jnp.matmul(head_att, head_rel_conn_emb)  # [B, T, 1, es]
    tail = jnp.matmul(tail_att, tail_rel_conn_emb)  # [B, T, 1, es]
    h = jax.nn.relu(head @ W1.T + b1 + head_emb @ W2.T + b2)  # linear1(head) + linear2(head_emb)
    t = jax.nn.relu(tail @ W1.T + b1 + tail_emb @ W2.T + b2)
    return jnp.concatenate((h, t), axis=2)  # [B, T, 2, es]

if __name__ == "__main__":
    import jax
    _d = setup_inputs()
    print(jax.jit(kernel)(*tuple(_d.values())))

</pallas_src>

<mosaic_0001>
#map = affine_map<(d0, d1) -> (0, 0)>
#map1 = affine_map<(d0, d1) -> (0, 0, 0)>
#map2 = affine_map<(d0, d1) -> (0)>
module attributes {stable_mosaic.version = 14 : i64} {
  func.func @sc_kernel(%arg0: i32, %arg1: i32, %arg2: memref<100000x128xf32, #tpu.memory_space<hbm>>, %arg3: memref<32x2x100000xi32, #tpu.memory_space<hbm>>, %arg4: memref<4096xi32, #tpu.memory_space<hbm>>, %arg5: memref<4096x128xf32, #tpu.memory_space<hbm>>, %arg6: memref<32x4096xi32, #tpu.memory_space<hbm>>, %arg7: memref<4096xi32, #tpu.memory_space<vmem>>, %arg8: memref<100000xi32, #tpu.memory_space<vmem>>, %arg9: memref<4096xi32, #tpu.memory_space<vmem>>, %arg10: memref<128x128xf32, #tpu.memory_space<vmem>>, %arg11: memref<!tpu.dma_semaphore, #tpu.memory_space<semaphore_mem>>, %arg12: memref<!tpu.dma_semaphore, #tpu.memory_space<semaphore_mem>>, %arg13: memref<!tpu.dma_semaphore, #tpu.memory_space<semaphore_mem>>) attributes {dimension_semantics = [#tpu.dimension_semantics<core_parallel>, #tpu.dimension_semantics<subcore_parallel>], iteration_bounds = array<i64: 2, 16>, scalar_prefetch = 0 : i64, scratch_operands = 7 : i64, tpu.core_type = #tpu.core_type<sc_vector_subcore>, window_params = [{transform_indices = #map}, {transform_indices = #map1}, {transform_indices = #map2}, {transform_indices = #map}, {transform_indices = #map}]} {
    %mul3A = arith.constant 2 : i32
    %mul3A_0 = arith.muli %arg1, %mul3A : i32
    %add3A = arith.addi %mul3A_0, %arg0 : i32
    %mul3A_1 = arith.constant 128 : i32
    %mul3A_2 = arith.muli %add3A, %mul3A_1 : i32
    %dma_start3A = arith.constant 0 : i32
    %dma_start3A_3 = arith.constant 0 : i32
    %dma_start3A_4 = tpu.memref_slice %arg3[%add3A, %dma_start3A, %dma_start3A_3] : memref<32x2x100000xi32, #tpu.memory_space<hbm>> -> memref<1x1x100000xi32, #tpu.memory_space<hbm>>
    %dma_start3A_5 = tpu.memref_squeeze %dma_start3A_4 : memref<1x1x100000xi32, #tpu.memory_space<hbm>> -> memref<100000xi32, #tpu.memory_space<hbm>>
    %dma_start3A_6 = arith.constant 0 : i32
    %dma_start3A_7 = tpu.memref_slice %arg3[%add3A, %dma_start3A, %dma_start3A_6] : memref<32x2x100000xi32, #tpu.memory_space<hbm>> -> memref<1x1x100000xi32, #tpu.memory_space<hbm>>
    %dma_start3A_8 = tpu.memref_squeeze %dma_start3A_7 : memref<1x1x100000xi32, #tpu.memory_space<hbm>> -> memref<100000xi32, #tpu.memory_space<hbm>>
    tpu.enqueue_dma source(%dma_start3A_8 : memref<100000xi32, #tpu.memory_space<hbm>>) target(%arg8 : memref<100000xi32, #tpu.memory_space<vmem>>) target_semaphore(%arg12 : memref<!tpu.dma_semaphore, #tpu.memory_space<semaphore_mem>>)
    "tpu.region"() ({
      %run_scoped3A = tpu.sem_alloc : memref<!tpu.dma_semaphore, #tpu.memory_space<semaphore_mem>>
      tpu.enqueue_dma source(%arg4 : memref<4096xi32, #tpu.memory_space<hbm>>) target(%arg7 : memref<4096xi32, #tpu.memory_space<vmem>>) target_semaphore(%run_scoped3A : memref<!tpu.dma_semaphore, #tpu.memory_space<semaphore_mem>>)
      tpu.wait_dma2 semaphore(%run_scoped3A : memref<!tpu.dma_semaphore, #tpu.memory_space<semaphore_mem>>) src(%arg4 : memref<4096xi32, #tpu.memory_space<hbm>>) dst(%arg7 : memref<4096xi32, #tpu.memory_space<vmem>>)
      tpu.yield
    }) : () -> ()
    %dma_start3A_9 = tpu.memref_slice %arg7[%mul3A_2] : memref<4096xi32, #tpu.memory_space<vmem>> -> memref<128xi32, #tpu.memory_space<vmem>>
    %dma_start3A_10 = arith.constant 0 : i32
    %dma_start3A_11 = arith.constant 0 : i32
    %dma_start3A_12 = tpu.memref_slice %arg2[%dma_start3A_10, %dma_start3A_11] : memref<100000x128xf32, #tpu.memory_space<hbm>> -> memref<100000x128xf32, #tpu.memory_space<hbm>>
    tpu.enqueue_indirect_dma source(%dma_start3A_12 : memref<100000x128xf32, #tpu.memory_space<hbm>>) target(%arg10 : memref<128x128xf32, #tpu.memory_space<vmem>>) offsets(%dma_start3A_9 : memref<128xi32, #tpu.memory_space<vmem>>) semaphore(%arg11 : memref<!tpu.dma_semaphore, #tpu.memory_space<semaphore_mem>>)
    %dma_wait3A = arith.constant 0 : i32
    %dma_wait3A_13 = arith.constant 0 : i32
    %dma_wait3A_14 = tpu.memref_slice %arg3[%add3A, %dma_wait3A, %dma_wait3A_13] : memref<32x2x100000xi32, #tpu.memory_space<hbm>> -> memref<1x1x100000xi32, #tpu.memory_space<hbm>>
    %dma_wait3A_15 = tpu.memref_squeeze %dma_wait3A_14 : memref<1x1x100000xi32, #tpu.memory_space<hbm>> -> memref<100000xi32, #tpu.memory_space<hbm>>
    %dma_wait3A_16 = arith.constant 0 : i32
    %dma_wait3A_17 = tpu.memref_slice %arg3[%add3A, %dma_wait3A, %dma_wait3A_16] : memref<32x2x100000xi32, #tpu.memory_space<hbm>> -> memref<1x1x100000xi32, #tpu.memory_space<hbm>>
    %dma_wait3A_18 = tpu.memref_squeeze %dma_wait3A_17 : memref<1x1x100000xi32, #tpu.memory_space<hbm>> -> memref<100000xi32, #tpu.memory_space<hbm>>
    tpu.wait_dma2 semaphore(%arg12 : memref<!tpu.dma_semaphore, #tpu.memory_space<semaphore_mem>>) src(%dma_wait3A_18 : memref<100000xi32, #tpu.memory_space<hbm>>) dst(%arg8 : memref<100000xi32, #tpu.memory_space<vmem>>)
    %scan3A = arith.constant 0 : i32
    %scan3A_19 = arith.constant 0 : i32
    %scan3A_20 = arith.constant 256 : i32
    %scan3A_21 = arith.addi %scan3A_19, %scan3A_20 : i32
    %scan3A_22 = arith.constant 2 : i32
    scf.for %scan3A_40 = %scan3A_19 to %scan3A_21 step %scan3A_22  : i32 {
      %mul3A_41 = arith.constant 16 : i32
      %mul3A_42 = arith.muli %scan3A_40, %mul3A_41 : i32
      %get3A = arith.index_cast %mul3A_42 : i32 to index
      %get3A_43 = tpu.vector_load %arg7[%get3A] {strides = array<i32>} : memref<4096xi32, #tpu.memory_space<vmem>>, vector<16xi32>,
      %gather3A = tpu.vector_load_idx %arg8[%get3A_43] : memref<100000xi32, #tpu.memory_space<vmem>>[vector<16xi32>], vector<16xi32>,
      %mul3A_44 = arith.constant 16 : i32
      %mul3A_45 = arith.muli %scan3A_40, %mul3A_44 : i32
      %swap3A = arith.index_cast %mul3A_45 : i32 to index
      %swap3A_46 = tpu.vector_load %arg9[%swap3A] {strides = array<i32>} : memref<4096xi32, #tpu.memory_space<vmem>>, vector<16xi32>,
      tpu.vector_store %arg9[%swap3A], %gather3A {strides = array<i32>} : memref<4096xi32, #tpu.memory_space<vmem>>, vector<16xi32>,
      %scan3A_47 = arith.constant 1 : i32
      %scan3A_48 = arith.addi %scan3A_40, %scan3A_47 : i32
      %mul3A_49 = arith.constant 16 : i32
      %mul3A_50 = arith.muli %scan3A_48, %mul3A_49 : i32
      %get3A_51 = arith.index_cast %mul3A_50 : i32 to index
      %get3A_52 = tpu.vector_load %arg7[%get3A_51] {strides = array<i32>} : memref<4096xi32, #tpu.memory_space<vmem>>, vector<16xi32>,
      %gather3A_53 = tpu.vector_load_idx %arg8[%get3A_52] : memref<100000xi32, #tpu.memory_space<vmem>>[vector<16xi32>], vector<16xi32>,
      %mul3A_54 = arith.constant 16 : i32
      %mul3A_55 = arith.muli %scan3A_48, %mul3A_54 : i32
      %swap3A_56 = arith.index_cast %mul3A_55 : i32 to index
      %swap3A_57 = tpu.vector_load %arg9[%swap3A_56] {strides = array<i32>} : memref<4096xi32, #tpu.memory_space<vmem>>, vector<16xi32>,
      tpu.vector_store %arg9[%swap3A_56], %gather3A_53 {strides = array<i32>} : memref<4096xi32, #tpu.memory_space<vmem>>, vector<16xi32>,
    }
    %scan3A_23 = arith.constant 256 : i32
    %dma_start3A_24 = arith.constant 0 : i32
    %dma_start3A_25 = tpu.memref_slice %arg6[%add3A, %dma_start3A_24] : memref<32x4096xi32, #tpu.memory_space<hbm>> -> memref<1x4096xi32, #tpu.memory_space<hbm>>
    %dma_start3A_26 = tpu.memref_squeeze %dma_start3A_25 : memref<1x4096xi32, #tpu.memory_space<hbm>> -> memref<4096xi32, #tpu.memory_space<hbm>>
    %dma_start3A_27 = arith.constant 0 : i32
    %dma_start3A_28 = tpu.memref_slice %arg6[%add3A, %dma_start3A_27] : memref<32x4096xi32, #tpu.memory_space<hbm>> -> memref<1x4096xi32, #tpu.memory_space<hbm>>
    %dma_start3A_29 = tpu.memref_squeeze %dma_start3A_28 : memref<1x4096xi32, #tpu.memory_space<hbm>> -> memref<4096xi32, #tpu.memory_space<hbm>>
    tpu.enqueue_dma source(%arg9 : memref<4096xi32, #tpu.memory_space<vmem>>) target(%dma_start3A_29 : memref<4096xi32, #tpu.memory_space<hbm>>) target_semaphore(%arg13 : memref<!tpu.dma_semaphore, #tpu.memory_space<semaphore_mem>>)
    %dma_wait3A_30 = tpu.memref_slice %arg7[%mul3A_2] : memref<4096xi32, #tpu.memory_space<vmem>> -> memref<128xi32, #tpu.memory_space<vmem>>
    %dma_wait3A_31 = arith.constant 0 : i32
    %dma_wait3A_32 = arith.constant 0 : i32
    %dma_wait3A_33 = tpu.memref_slice %arg2[%dma_wait3A_31, %dma_wait3A_32] : memref<100000x128xf32, #tpu.memory_space<hbm>> -> memref<100000x128xf32, #tpu.memory_space<hbm>>
    tpu.wait_indirect_dma semaphore(%arg11 : memref<!tpu.dma_semaphore, #tpu.memory_space<semaphore_mem>>) src(%dma_wait3A_33 : memref<100000x128xf32, #tpu.memory_space<hbm>>) dst(%arg10 : memref<128x128xf32, #tpu.memory_space<vmem>>)
    "tpu.region"() ({
      %run_scoped3A = tpu.sem_alloc : memref<!tpu.dma_semaphore, #tpu.memory_space<semaphore_mem>>
      %dma_start3A_40 = arith.constant 0 : i32
      %dma_start3A_41 = tpu.memref_slice %arg5[%mul3A_2, %dma_start3A_40] : memref<4096x128xf32, #tpu.memory_space<hbm>> -> memref<128x128xf32, #tpu.memory_space<hbm>>
      %dma_start3A_42 = arith.constant 0 : i32
      %dma_start3A_43 = tpu.memref_slice %arg5[%mul3A_2, %dma_start3A_42] : memref<4096x128xf32, #tpu.memory_space<hbm>> -> memref<128x128xf32, #tpu.memory_space<hbm>>
      tpu.enqueue_dma source(%arg10 : memref<128x128xf32, #tpu.memory_space<vmem>>) target(%dma_start3A_43 : memref<128x128xf32, #tpu.memory_space<hbm>>) target_semaphore(%run_scoped3A : memref<!tpu.dma_semaphore, #tpu.memory_space<semaphore_mem>>)
      %dma_wait3A_44 = arith.constant 0 : i32
      %dma_wait3A_45 = tpu.memref_slice %arg5[%mul3A_2, %dma_wait3A_44] : memref<4096x128xf32, #tpu.memory_space<hbm>> -> memref<128x128xf32, #tpu.memory_space<hbm>>
      %dma_wait3A_46 = arith.constant 0 : i32
      %dma_wait3A_47 = tpu.memref_slice %arg5[%mul3A_2, %dma_wait3A_46] : memref<4096x128xf32, #tpu.memory_space<hbm>> -> memref<128x128xf32, #tpu.memory_space<hbm>>
      tpu.wait_dma2 semaphore(%run_scoped3A : memref<!tpu.dma_semaphore, #tpu.memory_space<semaphore_mem>>) src(%arg10 : memref<128x128xf32, #tpu.memory_space<vmem>>) dst(%dma_wait3A_47 : memref<128x128xf32, #tpu.memory_space<hbm>>)
      tpu.yield
    }) : () -> ()
    %dma_wait3A_34 = arith.constant 0 : i32
    %dma_wait3A_35 = tpu.memref_slice %arg6[%add3A, %dma_wait3A_34] : memref<32x4096xi32, #tpu.memory_space<hbm>> -> memref<1x4096xi32, #tpu.memory_space<hbm>>
    %dma_wait3A_36 = tpu.memref_squeeze %dma_wait3A_35 : memref<1x4096xi32, #tpu.memory_space<hbm>> -> memref<4096xi32, #tpu.memory_space<hbm>>
    %dma_wait3A_37 = arith.constant 0 : i32
    %dma_wait3A_38 = tpu.memref_slice %arg6[%add3A, %dma_wait3A_37] : memref<32x4096xi32, #tpu.memory_space<hbm>> -> memref<1x4096xi32, #tpu.memory_space<hbm>>
    %dma_wait3A_39 = tpu.memref_squeeze %dma_wait3A_38 : memref<1x4096xi32, #tpu.memory_space<hbm>> -> memref<4096xi32, #tpu.memory_space<hbm>>
    tpu.wait_dma2 semaphore(%arg13 : memref<!tpu.dma_semaphore, #tpu.memory_space<semaphore_mem>>) src(%arg9 : memref<4096xi32, #tpu.memory_space<vmem>>) dst(%dma_wait3A_39 : memref<4096xi32, #tpu.memory_space<hbm>>)
    return
  }
}

module attributes {stable_mosaic.version = 14 : i64} {
  func.func @_tc_body(%arg0: i32, %arg1: memref<1024x128xf32, #tpu.memory_space<vmem>>, %arg2: memref<1024x128xf32, #tpu.memory_space<vmem>>, %arg3: memref<32x1024xi32, #tpu.memory_space<vmem>>, %arg4: memref<32x1024xi32, #tpu.memory_space<vmem>>, %arg5: memref<512x128xf32, #tpu.memory_space<vmem>>, %arg6: memref<128x128xf32, #tpu.memory_space<vmem>>, %arg7: memref<128x128xf32, #tpu.memory_space<vmem>>, %arg8: memref<128x128xf32, #tpu.memory_space<vmem>>, %arg9: memref<1x128xf32, #tpu.memory_space<vmem>>, %arg10: memref<8x128x2x128xf32, #tpu.memory_space<vmem>>) attributes {dimension_semantics = [#tpu.dimension_semantics<arbitrary>], iteration_bounds = array<i64: 2>, scalar_prefetch = 0 : i64, scratch_operands = 0 : i64, tpu.core_type = #tpu.core_type<tc>, window_params = [{transform_indices = @transform_0, window_bounds = array<i64: 1024, 128>}, {transform_indices = @transform_1, window_bounds = array<i64: 1024, 128>}, {transform_indices = @transform_2, window_bounds = array<i64: 32, 1024>}, {transform_indices = @transform_3, window_bounds = array<i64: 32, 1024>}, {pipeline_mode = #tpu.pipeline_mode<synchronous>, transform_indices = @transform_4, window_bounds = array<i64: 512, 128>}, {pipeline_mode = #tpu.pipeline_mode<synchronous>, transform_indices = @transform_5, window_bounds = array<i64: 128, 128>}, {pipeline_mode = #tpu.pipeline_mode<synchronous>, transform_indices = @transform_6, window_bounds = array<i64: 128, 128>}, {pipeline_mode = #tpu.pipeline_mode<synchronous>, transform_indices = @transform_7, window_bounds = array<i64: 128, 128>}, {pipeline_mode = #tpu.pipeline_mode<synchronous>, transform_indices = @transform_8, window_bounds = array<i64: 1, 128>}, {transform_indices = @transform_9, window_bounds = array<i64: 8, 128, 2, 128>}]} {
    %get3A = arith.constant 0 : index
    %get3A_0 = arith.constant 0 : index
    %get3A_1 = vector.load %arg1[%get3A, %get3A_0] : memref<1024x128xf32, #tpu.memory_space<vmem>>, vector<1024x128xf32>
    %get3A_2 = arith.constant 0 : index
    %get3A_3 = arith.constant 0 : index
    %get3A_4 = vector.load %arg2[%get3A_2, %get3A_3] : memref<1024x128xf32, #tpu.memory_space<vmem>>, vector<1024x128xf32>
    %sub3A = arith.subf %get3A_4, %get3A_1 : vector<1024x128xf32>
    %get3A_5 = arith.constant 0 : index
    %get3A_6 = arith.constant 0 : index
    %get3A_7 = vector.load %arg5[%get3A_5, %get3A_6] : memref<512x128xf32, #tpu.memory_space<vmem>>, vector<512x128xf32>
    %get3A_8 = arith.constant 0 : index
    %get3A_9 = arith.constant 0 : index
    %get3A_10 = vector.load %arg6[%get3A_8, %get3A_9] : memref<128x128xf32, #tpu.memory_space<vmem>>, vector<128x128xf32>
    %dot_general3A = arith.constant dense<0.000000e+00> : vector<512x128xf32>
    %dot_general3A_11 = tpu.matmul %get3A_7, %get3A_10, %dot_general3A {dimension_numbers = #tpu.dot_dimension_numbers<[1], [0], [0], [1], [0, 0, 1, 1], [], []>, transpose_lhs_hint = false} : vector<512x128xf32>, vector<128x128xf32>, vector<512x128xf32> -> vector<512x128xf32>
    %dot_general3A_12 = arith.constant dense<0.000000e+00> : vector<512x1024xf32>
    %dot_general3A_13 = tpu.matmul %dot_general3A_11, %sub3A, %dot_general3A_12 {dimension_numbers = #tpu.dot_dimension_numbers<[1], [1], [0], [0], [0, 0, 1, 0], [], []>, transpose_lhs_hint = false} : vector<512x128xf32>, vector<1024x128xf32>, vector<512x1024xf32> -> vector<512x1024xf32>
    %iota3A = tpu.iota {dimensions = array<i32: 0>} : vector<512x1xi16>
    %get3A_14 = arith.constant 0 : index
    %get3A_15 = arith.constant 0 : index
    %get3A_16 = vector.load %arg7[%get3A_14, %get3A_15] : memref<128x128xf32, #tpu.memory_space<vmem>>, vector<128x128xf32>
    %get3A_17 = arith.constant 0 : index
    %get3A_18 = arith.constant 0 : index
    %get3A_19 = vector.load %arg8[%get3A_17, %get3A_18] : memref<128x128xf32, #tpu.memory_space<vmem>>, vector<128x128xf32>
    %get3A_20 = arith.constant 0 : index
    %get3A_21 = arith.constant 0 : index
    %get3A_22 = vector.load %arg9[%get3A_20, %get3A_21] : memref<1x128xf32, #tpu.memory_space<vmem>>, vector<1x128xf32>
    %get3A_23 = arith.constant 0 : index
    %get3A_24 = arith.constant 0 : index
    %get3A_25 = vector.load %arg3[%get3A_23, %get3A_24] : memref<32x1024xi32, #tpu.memory_space<vmem>>, vector<32x1024xi32>
    %convert_element_type3A = arith.trunci %get3A_25 : vector<32x1024xi32> to vector<32x1024xi16>
    %broadcast_in_dim3A = arith.constant 0 : i16
    %broadcast_in_dim3A_26 = vector.broadcast %broadcast_in_dim3A : i16 to vector<512x1024xi16>
    %slice3A = vector.extract_strided_slice %convert_element_type3A {offsets = [0, 0], sizes = [1, 1024], strides = [1, 1]} : vector<32x1024xi16> to vector<1x1024xi16>
    %eq3A = vector.broadcast %slice3A : vector<1x1024xi16> to vector<512x1024xi16>
    %eq3A_27 = vector.broadcast %iota3A : vector<512x1xi16> to vector<512x1024xi16>
    %eq3A_28 = arith.cmpi eq, %eq3A, %eq3A_27 : vector<512x1024xi16>
    %convert_element_type3A_29 = arith.extui %eq3A_28 : vector<512x1024xi1> to vector<512x1024xi16>
    %add3A = arith.addi %broadcast_in_dim3A_26, %convert_element_type3A_29 : vector<512x1024xi16>
    %slice3A_30 = vector.extract_strided_slice %convert_element_type3A {offsets = [1, 0], sizes = [1, 1024], strides = [1, 1]} : vector<32x1024xi16> to vector<1x1024xi16>
    %eq3A_31 = vector.broadcast %slice3A_30 : vector<1x1024xi16> to vector<512x1024xi16>
    %eq3A_32 = vector.broadcast %iota3A : vector<512x1xi16> to vector<512x1024xi16>
    %eq3A_33 = arith.cmpi eq, %eq3A_31, %eq3A_32 : vector<512x1024xi16>
    %convert_element_type3A_34 = arith.extui %eq3A_33 : vector<512x1024xi1> to vector<512x1024xi16>
    %add3A_35 = arith.addi %add3A, %convert_element_type3A_34 : vector<512x1024xi16>
    %slice3A_36 = vector.extract_strided_slice %convert_element_type3A {offsets = [2, 0], sizes = [1, 1024], strides = [1, 1]} : vector<32x1024xi16> to vector<1x1024xi16>
    %eq3A_37 = vector.broadcast %slice3A_36 : vector<1x1024xi16> to vector<512x1024xi16>
    %eq3A_38 = vector.broadcast %iota3A : vector<512x1xi16> to vector<512x1024xi16>
    %eq3A_39 = arith.cmpi eq, %eq3A_37, %eq3A_38 : vector<512x1024xi16>
    %convert_element_type3A_40 = arith.extui %eq3A_39 : vector<512x1024xi1> to vector<512x1024xi16>
    %add3A_41 = arith.addi %add3A_35, %convert_element_type3A_40 : vector<512x1024xi16>
    %slice3A_42 = vector.extract_strided_slice %convert_element_type3A {offsets = [3, 0], sizes = [1, 1024], strides = [1, 1]} : vector<32x1024xi16> to vector<1x1024xi16>
    %eq3A_43 = vector.broadcast %slice3A_42 : vector<1x1024xi16> to vector<512x1024xi16>
    %eq3A_44 = vector.broadcast %iota3A : vector<512x1xi16> to vector<512x1024xi16>
    %eq3A_45 = arith.cmpi eq, %eq3A_43, %eq3A_44 : vector<512x1024xi16>
    %convert_element_type3A_46 = arith.extui %eq3A_45 : vector<512x1024xi1> to vector<512x1024xi16>
    %add3A_47 = arith.addi %add3A_41, %convert_element_type3A_46 : vector<512x1024xi16>
    %slice3A_48 = vector.extract_strided_slice %convert_element_type3A {offsets = [4, 0], sizes = [1, 1024], strides = [1, 1]} : vector<32x1024xi16> to vector<1x1024xi16>
    %eq3A_49 = vector.broadcast %slice3A_48 : vector<1x1024xi16> to vector<512x1024xi16>
    %eq3A_50 = vector.broadcast %iota3A : vector<512x1xi16> to vector<512x1024xi16>
    %eq3A_51 = arith.cmpi eq, %eq3A_49, %eq3A_50 : vector<512x1024xi16>
    %convert_element_type3A_52 = arith.extui %eq3A_51 : vector<512x1024xi1> to vector<512x1024xi16>
    %add3A_53 = arith.addi %add3A_47, %convert_element_type3A_52 : vector<512x1024xi16>
    %slice3A_54 = vector.extract_strided_slice %convert_element_type3A {offsets = [5, 0], sizes = [1, 1024], strides = [1, 1]} : vector<32x1024xi16> to vector<1x1024xi16>
    %eq3A_55 = vector.broadcast %slice3A_54 : vector<1x1024xi16> to vector<512x1024xi16>
    %eq3A_56 = vector.broadcast %iota3A : vector<512x1xi16> to vector<512x1024xi16>
    %eq3A_57 = arith.cmpi eq, %eq3A_55, %eq3A_56 : vector<512x1024xi16>
    %convert_element_type3A_58 = arith.extui %eq3A_57 : vector<512x1024xi1> to vector<512x1024xi16>
    %add3A_59 = arith.addi %add3A_53, %convert_element_type3A_58 : vector<512x1024xi16>
    %slice3A_60 = vector.extract_strided_slice %convert_element_type3A {offsets = [6, 0], sizes = [1, 1024], strides = [1, 1]} : vector<32x1024xi16> to vector<1x1024xi16>
    %eq3A_61 = vector.broadcast %slice3A_60 : vector<1x1024xi16> to vector<512x1024xi16>
    %eq3A_62 = vector.broadcast %iota3A : vector<512x1xi16> to vector<512x1024xi16>
    %eq3A_63 = arith.cmpi eq, %eq3A_61, %eq3A_62 : vector<512x1024xi16>
    %convert_element_type3A_64 = arith.extui %eq3A_63 : vector<512x1024xi1> to vector<512x1024xi16>
    %add3A_65 = arith.addi %add3A_59, %convert_element_type3A_64 : vector<512x1024xi16>
    %slice3A_66 = vector.extract_strided_slice %convert_element_type3A {offsets = [7, 0], sizes = [1, 1024], strides = [1, 1]} : vector<32x1024xi16> to vector<1x1024xi16>
    %eq3A_67 = vector.broadcast %slice3A_66 : vector<1x1024xi16> to vector<512x1024xi16>
    %eq3A_68 = vector.broadcast %iota3A : vector<512x1xi16> to vector<512x1024xi16>
    %eq3A_69 = arith.cmpi eq, %eq3A_67, %eq3A_68 : vector<512x1024xi16>
    %convert_element_type3A_70 = arith.extui %eq3A_69 : vector<512x1024xi1> to vector<512x1024xi16>
    %add3A_71 = arith.addi %add3A_65, %convert_element_type3A_70 : vector<512x1024xi16>
    %slice3A_72 = vector.extract_strided_slice %convert_element_type3A {offsets = [8, 0], sizes = [1, 1024], strides = [1, 1]} : vector<32x1024xi16> to vector<1x1024xi16>
    %eq3A_73 = vector.broadcast %slice3A_72 : vector<1x1024xi16> to vector<512x1024xi16>
    %eq3A_74 = vector.broadcast %iota3A : vector<512x1xi16> to vector<512x1024xi16>
    %eq3A_75 = arith.cmpi eq, %eq3A_73, %eq3A_74 : vector<512x1024xi16>
    %convert_element_type3A_76 = arith.extui %eq3A_75 : vector<512x1024xi1> to vector<512x1024xi16>
    %add3A_77 = arith.addi %add3A_71, %convert_element_type3A_76 : vector<512x1024xi16>
    %slice3A_78 = vector.extract_strided_slice %convert_element_type3A {offsets = [9, 0], sizes = [1, 1024], strides = [1, 1]} : vector<32x1024xi16> to vector<1x1024xi16>
    %eq3A_79 = vector.broadcast %slice3A_78 : vector<1x1024xi16> to vector<512x1024xi16>
    %eq3A_80 = vector.broadcast %iota3A : vector<512x1xi16> to vector<512x1024xi16>
    %eq3A_81 = arith.cmpi eq, %eq3A_79, %eq3A_80 : vector<512x1024xi16>
    %convert_element_type3A_82 = arith.extui %eq3A_81 : vector<512x1024xi1> to vector<512x1024xi16>
    %add3A_83 = arith.addi %add3A_77, %convert_element_type3A_82 : vector<512x1024xi16>
    %slice3A_84 = vector.extract_strided_slice %convert_element_type3A {offsets = [10, 0], sizes = [1, 1024], strides = [1, 1]} : vector<32x1024xi16> to vector<1x1024xi16>
    %eq3A_85 = vector.broadcast %slice3A_84 : vector<1x1024xi16> to vector<512x1024xi16>
    %eq3A_86 = vector.broadcast %iota3A : vector<512x1xi16> to vector<512x1024xi16>
    %eq3A_87 = arith.cmpi eq, %eq3A_85, %eq3A_86 : vector<512x1024xi16>
    %convert_element_type3A_88 = arith.extui %eq3A_87 : vector<512x1024xi1> to vector<512x1024xi16>
    %add3A_89 = arith.addi %add3A_83, %convert_element_type3A_88 : vector<512x1024xi16>
    %slice3A_90 = vector.extract_strided_slice %convert_element_type3A {offsets = [11, 0], sizes = [1, 1024], strides = [1, 1]} : vector<32x1024xi16> to vector<1x1024xi16>
    %eq3A_91 = vector.broadcast %slice3A_90 : vector<1x1024xi16> to vector<512x1024xi16>
    %eq3A_92 = vector.broadcast %iota3A : vector<512x1xi16> to vector<512x1024xi16>
    %eq3A_93 = arith.cmpi eq, %eq3A_91, %eq3A_92 : vector<512x1024xi16>
    %convert_element_type3A_94 = arith.extui %eq3A_93 : vector<512x1024xi1> to vector<512x1024xi16>
    %add3A_95 = arith.addi %add3A_89, %convert_element_type3A_94 : vector<512x1024xi16>
    %slice3A_96 = vector.extract_strided_slice %convert_element_type3A {offsets = [12, 0], sizes = [1, 1024], strides = [1, 1]} : vector<32x1024xi16> to vector<1x1024xi16>
    %eq3A_97 = vector.broadcast %slice3A_96 : vector<1x1024xi16> to vector<512x1024xi16>
    %eq3A_98 = vector.broadcast %iota3A : vector<512x1xi16> to vector<512x1024xi16>
    %eq3A_99 = arith.cmpi eq, %eq3A_97, %eq3A_98 : vector<512x1024xi16>
    %convert_element_type3A_100 = arith.extui %eq3A_99 : vector<512x1024xi1> to vector<512x1024xi16>
    %add3A_101 = arith.addi %add3A_95, %convert_element_type3A_100 : vector<512x1024xi16>
    %slice3A_102 = vector.extract_strided_slice %convert_element_type3A {offsets = [13, 0], sizes = [1, 1024], strides = [1, 1]} : vector<32x1024xi16> to vector<1x1024xi16>
    %eq3A_103 = vector.broadcast %slice3A_102 : vector<1x1024xi16> to vector<512x1024xi16>
    %eq3A_104 = vector.broadcast %iota3A : vector<512x1xi16> to vector<512x1024xi16>
    %eq3A_105 = arith.cmpi eq, %eq3A_103, %eq3A_104 : vector<512x1024xi16>
    %convert_element_type3A_106 = arith.extui %eq3A_105 : vector<512x1024xi1> to vector<512x1024xi16>
    %add3A_107 = arith.addi %add3A_101, %convert_element_type3A_106 : vector<512x1024xi16>
    %slice3A_108 = vector.extract_strided_slice %convert_element_type3A {offsets = [14, 0], sizes = [1, 1024], strides = [1, 1]} : vector<32x1024xi16> to vector<1x1024xi16>
    %eq3A_109 = vector.broadcast %slice3A_108 : vector<1x1024xi16> to vector<512x1024xi16>
    %eq3A_110 = vector.broadcast %iota3A : vector<512x1xi16> to vector<512x1024xi16>
    %eq3A_111 = arith.cmpi eq, %eq3A_109, %eq3A_110 : vector<512x1024xi16>
    %convert_element_type3A_112 = arith.extui %eq3A_111 : vector<512x1024xi1> to vector<512x1024xi16>
    %add3A_113 = arith.addi %add3A_107, %convert_element_type3A_112 : vector<512x1024xi16>
    %slice3A_114 = vector.extract_strided_slice %convert_element_type3A {offsets = [15, 0], sizes = [1, 1024], strides = [1, 1]} : vector<32x1024xi16> to vector<1x1024xi16>
    %eq3A_115 = vector.broadcast %slice3A_114 : vector<1x1024xi16> to vector<512x1024xi16>
    %eq3A_116 = vector.broadcast %iota3A : vector<512x1xi16> to vector<512x1024xi16>
    %eq3A_117 = arith.cmpi eq, %eq3A_115, %eq3A_116 : vector<512x1024xi16>
    %convert_element_type3A_118 = arith.extui %eq3A_117 : vector<512x1024xi1> to vector<512x1024xi16>
    %add3A_119 = arith.addi %add3A_113, %convert_element_type3A_118 : vector<512x1024xi16>
    %slice3A_120 = vector.extract_strided_slice %convert_element_type3A {offsets = [16, 0], sizes = [1, 1024], strides = [1, 1]} : vector<32x1024xi16> to vector<1x1024xi16>
    %eq3A_121 = vector.broadcast %slice3A_120 : vector<1x1024xi16> to vector<512x1024xi16>
    %eq3A_122 = vector.broadcast %iota3A : vector<512x1xi16> to vector<512x1024xi16>
    %eq3A_123 = arith.cmpi eq, %eq3A_121, %eq3A_122 : vector<512x1024xi16>
    %convert_element_type3A_124 = arith.extui %eq3A_123 : vector<512x1024xi1> to vector<512x1024xi16>
    %add3A_125 = arith.addi %add3A_119, %convert_element_type3A_124 : vector<512x1024xi16>
    %slice3A_126 = vector.extract_strided_slice %convert_element_type3A {offsets = [17, 0], sizes = [1, 1024], strides = [1, 1]} : vector<32x1024xi16> to vector<1x1024xi16>
    %eq3A_127 = vector.broadcast %slice3A_126 : vector<1x1024xi16> to vector<512x1024xi16>
    %eq3A_128 = vector.broadcast %iota3A : vector<512x1xi16> to vector<512x1024xi16>
    %eq3A_129 = arith.cmpi eq, %eq3A_127, %eq3A_128 : vector<512x1024xi16>
    %convert_element_type3A_130 = arith.extui %eq3A_129 : vector<512x1024xi1> to vector<512x1024xi16>
    %add3A_131 = arith.addi %add3A_125, %convert_element_type3A_130 : vector<512x1024xi16>
    %slice3A_132 = vector.extract_strided_slice %convert_element_type3A {offsets = [18, 0], sizes = [1, 1024], strides = [1, 1]} : vector<32x1024xi16> to vector<1x1024xi16>
    %eq3A_133 = vector.broadcast %slice3A_132 : vector<1x1024xi16> to vector<512x1024xi16>
    %eq3A_134 = vector.broadcast %iota3A : vector<512x1xi16> to vector<512x1024xi16>
    %eq3A_135 = arith.cmpi eq, %eq3A_133, %eq3A_134 : vector<512x1024xi16>
    %convert_element_type3A_136 = arith.extui %eq3A_135 : vector<512x1024xi1> to vector<512x1024xi16>
    %add3A_137 = arith.addi %add3A_131, %convert_element_type3A_136 : vector<512x1024xi16>
    %slice3A_138 = vector.extract_strided_slice %convert_element_type3A {offsets = [19, 0], sizes = [1, 1024], strides = [1, 1]} : vector<32x1024xi16> to vector<1x1024xi16>
    %eq3A_139 = vector.broadcast %slice3A_138 : vector<1x1024xi16> to vector<512x1024xi16>
    %eq3A_140 = vector.broadcast %iota3A : vector<512x1xi16> to vector<512x1024xi16>
    %eq3A_141 = arith.cmpi eq, %eq3A_139, %eq3A_140 : vector<512x1024xi16>
    %convert_element_type3A_142 = arith.extui %eq3A_141 : vector<512x1024xi1> to vector<512x1024xi16>
    %add3A_143 = arith.addi %add3A_137, %convert_element_type3A_142 : vector<512x1024xi16>
    %slice3A_144 = vector.extract_strided_slice %convert_element_type3A {offsets = [20, 0], sizes = [1, 1024], strides = [1, 1]} : vector<32x1024xi16> to vector<1x1024xi16>
    %eq3A_145 = vector.broadcast %slice3A_144 : vector<1x1024xi16> to vector<512x1024xi16>
    %eq3A_146 = vector.broadcast %iota3A : vector<512x1xi16> to vector<512x1024xi16>
    %eq3A_147 = arith.cmpi eq, %eq3A_145, %eq3A_146 : vector<512x1024xi16>
    %convert_element_type3A_148 = arith.extui %eq3A_147 : vector<512x1024xi1> to vector<512x1024xi16>
    %add3A_149 = arith.addi %add3A_143, %convert_element_type3A_148 : vector<512x1024xi16>
    %slice3A_150 = vector.extract_strided_slice %convert_element_type3A {offsets = [21, 0], sizes = [1, 1024], strides = [1, 1]} : vector<32x1024xi16> to vector<1x1024xi16>
    %eq3A_151 = vector.broadcast %slice3A_150 : vector<1x1024xi16> to vector<512x1024xi16>
    %eq3A_152 = vector.broadcast %iota3A : vector<512x1xi16> to vector<512x1024xi16>
    %eq3A_153 = arith.cmpi eq, %eq3A_151, %eq3A_152 : vector<512x1024xi16>
    %convert_element_type3A_154 = arith.extui %eq3A_153 : vector<512x1024xi1> to vector<512x1024xi16>
    %add3A_155 = arith.addi %add3A_149, %convert_element_type3A_154 : vector<512x1024xi16>
    %slice3A_156 = vector.extract_strided_slice %convert_element_type3A {offsets = [22, 0], sizes = [1, 1024], strides = [1, 1]} : vector<32x1024xi16> to vector<1x1024xi16>
    %eq3A_157 = vector.broadcast %slice3A_156 : vector<1x1024xi16> to vector<512x1024xi16>
    %eq3A_158 = vector.broadcast %iota3A : vector<512x1xi16> to vector<512x1024xi16>
    %eq3A_159 = arith.cmpi eq, %eq3A_157, %eq3A_158 : vector<512x1024xi16>
    %convert_element_type3A_160 = arith.extui %eq3A_159 : vector<512x1024xi1> to vector<512x1024xi16>
    %add3A_161 = arith.addi %add3A_155, %convert_element_type3A_160 : vector<512x1024xi16>
    %slice3A_162 = vector.extract_strided_slice %convert_element_type3A {offsets = [23, 0], sizes = [1, 1024], strides = [1, 1]} : vector<32x1024xi16> to vector<1x1024xi16>
    %eq3A_163 = vector.broadcast %slice3A_162 : vector<1x1024xi16> to vector<512x1024xi16>
    %eq3A_164 = vector.broadcast %iota3A : vector<512x1xi16> to vector<512x1024xi16>
    %eq3A_165 = arith.cmpi eq, %eq3A_163, %eq3A_164 : vector<512x1024xi16>
    %convert_element_type3A_166 = arith.extui %eq3A_165 : vector<512x1024xi1> to vector<512x1024xi16>
    %add3A_167 = arith.addi %add3A_161, %convert_element_type3A_166 : vector<512x1024xi16>
    %slice3A_168 = vector.extract_strided_slice %convert_element_type3A {offsets = [24, 0], sizes = [1, 1024], strides = [1, 1]} : vector<32x1024xi16> to vector<1x1024xi16>
    %eq3A_169 = vector.broadcast %slice3A_168 : vector<1x1024xi16> to vector<512x1024xi16>
    %eq3A_170 = vector.broadcast %iota3A : vector<512x1xi16> to vector<512x1024xi16>
    %eq3A_171 = arith.cmpi eq, %eq3A_169, %eq3A_170 : vector<512x1024xi16>
    %convert_element_type3A_172 = arith.extui %eq3A_171 : vector<512x1024xi1> to vector<512x1024xi16>
    %add3A_173 = arith.addi %add3A_167, %convert_element_type3A_172 : vector<512x1024xi16>
    %slice3A_174 = vector.extract_strided_slice %convert_element_type3A {offsets = [25, 0], sizes = [1, 1024], strides = [1, 1]} : vector<32x1024xi16> to vector<1x1024xi16>
    %eq3A_175 = vector.broadcast %slice3A_174 : vector<1x1024xi16> to vector<512x1024xi16>
    %eq3A_176 = vector.broadcast %iota3A : vector<512x1xi16> to vector<512x1024xi16>
    %eq3A_177 = arith.cmpi eq, %eq3A_175, %eq3A_176 : vector<512x1024xi16>
    %convert_element_type3A_178 = arith.extui %eq3A_177 : vector<512x1024xi1> to vector<512x1024xi16>
    %add3A_179 = arith.addi %add3A_173, %convert_element_type3A_178 : vector<512x1024xi16>
    %slice3A_180 = vector.extract_strided_slice %convert_element_type3A {offsets = [26, 0], sizes = [1, 1024], strides = [1, 1]} : vector<32x1024xi16> to vector<1x1024xi16>
    %eq3A_181 = vector.broadcast %slice3A_180 : vector<1x1024xi16> to vector<512x1024xi16>
    %eq3A_182 = vector.broadcast %iota3A : vector<512x1xi16> to vector<512x1024xi16>
    %eq3A_183 = arith.cmpi eq, %eq3A_181, %eq3A_182 : vector<512x1024xi16>
    %convert_element_type3A_184 = arith.extui %eq3A_183 : vector<512x1024xi1> to vector<512x1024xi16>
    %add3A_185 = arith.addi %add3A_179, %convert_element_type3A_184 : vector<512x1024xi16>
    %slice3A_186 = vector.extract_strided_slice %convert_element_type3A {offsets = [27, 0], sizes = [1, 1024], strides = [1, 1]} : vector<32x1024xi16> to vector<1x1024xi16>
    %eq3A_187 = vector.broadcast %slice3A_186 : vector<1x1024xi16> to vector<512x1024xi16>
    %eq3A_188 = vector.broadcast %iota3A : vector<512x1xi16> to vector<512x1024xi16>
    %eq3A_189 = arith.cmpi eq, %eq3A_187, %eq3A_188 : vector<512x1024xi16>
    %convert_element_type3A_190 = arith.extui %eq3A_189 : vector<512x1024xi1> to vector<512x1024xi16>
    %add3A_191 = arith.addi %add3A_185, %convert_element_type3A_190 : vector<512x1024xi16>
    %slice3A_192 = vector.extract_strided_slice %convert_element_type3A {offsets = [28, 0], sizes = [1, 1024], strides = [1, 1]} : vector<32x1024xi16> to vector<1x1024xi16>
    %eq3A_193 = vector.broadcast %slice3A_192 : vector<1x1024xi16> to vector<512x1024xi16>
    %eq3A_194 = vector.broadcast %iota3A : vector<512x1xi16> to vector<512x1024xi16>
    %eq3A_195 = arith.cmpi eq, %eq3A_193, %eq3A_194 : vector<512x1024xi16>
    %convert_element_type3A_196 = arith.extui %eq3A_195 : vector<512x1024xi1> to vector<512x1024xi16>
    %add3A_197 = arith.addi %add3A_191, %convert_element_type3A_196 : vector<512x1024xi16>
    %slice3A_198 = vector.extract_strided_slice %convert_element_type3A {offsets = [29, 0], sizes = [1, 1024], strides = [1, 1]} : vector<32x1024xi16> to vector<1x1024xi16>
    %eq3A_199 = vector.broadcast %slice3A_198 : vector<1x1024xi16> to vector<512x1024xi16>
    %eq3A_200 = vector.broadcast %iota3A : vector<512x1xi16> to vector<512x1024xi16>
    %eq3A_201 = arith.cmpi eq, %eq3A_199, %eq3A_200 : vector<512x1024xi16>
    %convert_element_type3A_202 = arith.extui %eq3A_201 : vector<512x1024xi1> to vector<512x1024xi16>
    %add3A_203 = arith.addi %add3A_197, %convert_element_type3A_202 : vector<512x1024xi16>
    %slice3A_204 = vector.extract_strided_slice %convert_element_type3A {offsets = [30, 0], sizes = [1, 1024], strides = [1, 1]} : vector<32x1024xi16> to vector<1x1024xi16>
    %eq3A_205 = vector.broadcast %slice3A_204 : vector<1x1024xi16> to vector<512x1024xi16>
    %eq3A_206 = vector.broadcast %iota3A : vector<512x1xi16> to vector<512x1024xi16>
    %eq3A_207 = arith.cmpi eq, %eq3A_205, %eq3A_206 : vector<512x1024xi16>
    %convert_element_type3A_208 = arith.extui %eq3A_207 : vector<512x1024xi1> to vector<512x1024xi16>
    %add3A_209 = arith.addi %add3A_203, %convert_element_type3A_208 : vector<512x1024xi16>
    %slice3A_210 = vector.extract_strided_slice %convert_element_type3A {offsets = [31, 0], sizes = [1, 1024], strides = [1, 1]} : vector<32x1024xi16> to vector<1x1024xi16>
    %eq3A_211 = vector.broadcast %slice3A_210 : vector<1x1024xi16> to vector<512x1024xi16>
    %eq3A_212 = vector.broadcast %iota3A : vector<512x1xi16> to vector<512x1024xi16>
    %eq3A_213 = arith.cmpi eq, %eq3A_211, %eq3A_212 : vector<512x1024xi16>
    %convert_element_type3A_214 = arith.extui %eq3A_213 : vector<512x1024xi1> to vector<512x1024xi16>
    %add3A_215 = arith.addi %add3A_209, %convert_element_type3A_214 : vector<512x1024xi16>
    %convert_element_type3A_216 = arith.sitofp %add3A_215 : vector<512x1024xi16> to vector<512x1024xf32>
    %gt3A = arith.constant 0 : i16
    %gt3A_217 = vector.broadcast %gt3A : i16 to vector<512x1024xi16>
    %gt3A_218 = arith.cmpi sgt, %add3A_215, %gt3A_217 : vector<512x1024xi16>
    %jit3A = arith.constant 0xFF800000 : f32
    %broadcast_in_dim3A_219 = vector.broadcast %jit3A : f32 to vector<512x1024xf32>
    %select_n3A = arith.select %gt3A_218, %dot_general3A_13, %broadcast_in_dim3A_219 : vector<512x1024xi1>, vector<512x1024xf32>
    %reduce_max3A = arith.constant dense<0xFF800000> : vector<1024xf32>
    %reduce_max3A_220 = vector.multi_reduction <maximumf>, %select_n3A, %reduce_max3A [0] : vector<512x1024xf32> to vector<1024xf32>
    %broadcast_in_dim3A_221 = vector.shape_cast %reduce_max3A_220 : vector<1024xf32> to vector<1x1024xf32>
    %sub3A_222 = vector.broadcast %broadcast_in_dim3A_221 : vector<1x1024xf32> to vector<512x1024xf32>
    %sub3A_223 = arith.subf %select_n3A, %sub3A_222 : vector<512x1024xf32>
    %exp3A = math.exp %sub3A_223 : vector<512x1024xf32>
    %mul3A = arith.mulf %convert_element_type3A_216, %exp3A : vector<512x1024xf32>
    %reduce_sum3A = arith.constant dense<0.000000e+00> : vector<1024xf32>
    %reduce_sum3A_224 = vector.multi_reduction <add>, %mul3A, %reduce_sum3A [0] : vector<512x1024xf32> to vector<1024xf32>
    %broadcast_in_dim3A_225 = vector.shape_cast %reduce_sum3A_224 : vector<1024xf32> to vector<1x1024xf32>
    %div3A = vector.broadcast %broadcast_in_dim3A_225 : vector<1x1024xf32> to vector<512x1024xf32>
    %div3A_226 = arith.divf %mul3A, %div3A : vector<512x1024xf32>
    %dot_general3A_227 = arith.constant dense<0.000000e+00> : vector<1024x128xf32>
    %dot_general3A_228 = tpu.matmul %div3A_226, %get3A_7, %dot_general3A_227 {dimension_numbers = #tpu.dot_dimension_numbers<[0], [0], [1], [1], [0, 1, 1, 1], [], []>, transpose_lhs_hint = false} : vector<512x1024xf32>, vector<512x128xf32>, vector<1024x128xf32> -> vector<1024x128xf32>
    %dot_general3A_229 = arith.constant dense<0.000000e+00> : vector<1024x128xf32>
    %dot_general3A_230 = tpu.matmul %dot_general3A_228, %get3A_16, %dot_general3A_229 {dimension_numbers = #tpu.dot_dimension_numbers<[1], [1], [0], [0], [0, 0, 1, 0], [], []>, transpose_lhs_hint = false} : vector<1024x128xf32>, vector<128x128xf32>, vector<1024x128xf32> -> vector<1024x128xf32>
    %dot_general3A_231 = arith.constant dense<0.000000e+00> : vector<1024x128xf32>
    %dot_general3A_232 = tpu.matmul %get3A_1, %get3A_19, %dot_general3A_231 {dimension_numbers = #tpu.dot_dimension_numbers<[1], [1], [0], [0], [0, 0, 1, 0], [], []>, transpose_lhs_hint = false} : vector<1024x128xf32>, vector<128x128xf32>, vector<1024x128xf32> -> vector<1024x128xf32>
    %add3A_233 = arith.addf %dot_general3A_230, %dot_general3A_232 : vector<1024x128xf32>
    %add3A_234 = vector.broadcast %get3A_22 : vector<1x128xf32> to vector<1024x128xf32>
    %add3A_235 = arith.addf %add3A_233, %add3A_234 : vector<1024x128xf32>
    %max3A = arith.constant 0.000000e+00 : f32
    %max3A_236 = vector.broadcast %max3A : f32 to vector<1024x128xf32>
    %max3A_237 = arith.maximumf %add3A_235, %max3A_236 : vector<1024x128xf32>
    %reshape3A = vector.shape_cast %max3A_237 : vector<1024x128xf32> to vector<8x128x128xf32>
    %swap3A = arith.constant 0 : index
    %swap3A_238 = arith.constant 0 : index
    %swap3A_239 = arith.constant 0 : index
    %swap3A_240 = arith.constant 0 : index
    %swap3A_241 = vector.load %arg10[%swap3A, %swap3A_238, %swap3A_239, %swap3A_240] : memref<8x128x2x128xf32, #tpu.memory_space<vmem>>, vector<8x128x1x128xf32>
    %swap3A_242 = vector.shape_cast %swap3A_241 : vector<8x128x1x128xf32> to vector<8x128x128xf32>
    %swap3A_243 = vector.shape_cast %reshape3A : vector<8x128x128xf32> to vector<8x128x1x128xf32>
    tpu.vector_store %arg10[%swap3A, %swap3A_238, %swap3A_239, %swap3A_240], %swap3A_243 {strides = array<i32>} : memref<8x128x2x128xf32, #tpu.memory_space<vmem>>, vector<8x128x1x128xf32>,
    %get3A_244 = arith.constant 0 : index
    %get3A_245 = arith.constant 0 : index
    %get3A_246 = vector.load %arg4[%get3A_244, %get3A_245] : memref<32x1024xi32, #tpu.memory_space<vmem>>, vector<32x1024xi32>
    %convert_element_type3A_247 = arith.trunci %get3A_246 : vector<32x1024xi32> to vector<32x1024xi16>
    %broadcast_in_dim3A_248 = arith.constant 0 : i16
    %broadcast_in_dim3A_249 = vector.broadcast %broadcast_in_dim3A_248 : i16 to vector<512x1024xi16>
    %slice3A_250 = vector.extract_strided_slice %convert_element_type3A_247 {offsets = [0, 0], sizes = [1, 1024], strides = [1, 1]} : vector<32x1024xi16> to vector<1x1024xi16>
    %eq3A_251 = vector.broadcast %slice3A_250 : vector<1x1024xi16> to vector<512x1024xi16>
    %eq3A_252 = vector.broadcast %iota3A : vector<512x1xi16> to vector<512x1024xi16>
    %eq3A_253 = arith.cmpi eq, %eq3A_251, %eq3A_252 : vector<512x1024xi16>
    %convert_element_type3A_254 = arith.extui %eq3A_253 : vector<512x1024xi1> to vector<512x1024xi16>
    %add3A_255 = arith.addi %broadcast_in_dim3A_249, %convert_element_type3A_254 : vector<512x1024xi16>
    %slice3A_256 = vector.extract_strided_slice %convert_element_type3A_247 {offsets = [1, 0], sizes = [1, 1024], strides = [1, 1]} : vector<32x1024xi16> to vector<1x1024xi16>
    %eq3A_257 = vector.broadcast %slice3A_256 : vector<1x1024xi16> to vector<512x1024xi16>
    %eq3A_258 = vector.broadcast %iota3A : vector<512x1xi16> to vector<512x1024xi16>
    %eq3A_259 = arith.cmpi eq, %eq3A_257, %eq3A_258 : vector<512x1024xi16>
    %convert_element_type3A_260 = arith.extui %eq3A_259 : vector<512x1024xi1> to vector<512x1024xi16>
    %add3A_261 = arith.addi %add3A_255, %convert_element_type3A_260 : vector<512x1024xi16>
    %slice3A_262 = vector.extract_strided_slice %convert_element_type3A_247 {offsets = [2, 0], sizes = [1, 1024], strides = [1, 1]} : vector<32x1024xi16> to vector<1x1024xi16>
    %eq3A_263 = vector.broadcast %slice3A_262 : vector<1x1024xi16> to vector<512x1024xi16>
    %eq3A_264 = vector.broadcast %iota3A : vector<512x1xi16> to vector<512x1024xi16>
    %eq3A_265 = arith.cmpi eq, %eq3A_263, %eq3A_264 : vector<512x1024xi16>
    %convert_element_type3A_266 = arith.extui %eq3A_265 : vector<512x1024xi1> to vector<512x1024xi16>
    %add3A_267 = arith.addi %add3A_261, %convert_element_type3A_266 : vector<512x1024xi16>
    %slice3A_268 = vector.extract_strided_slice %convert_element_type3A_247 {offsets = [3, 0], sizes = [1, 1024], strides = [1, 1]} : vector<32x1024xi16> to vector<1x1024xi16>
    %eq3A_269 = vector.broadcast %slice3A_268 : vector<1x1024xi16> to vector<512x1024xi16>
    %eq3A_270 = vector.broadcast %iota3A : vector<512x1xi16> to vector<512x1024xi16>
    %eq3A_271 = arith.cmpi eq, %eq3A_269, %eq3A_270 : vector<512x1024xi16>
    %convert_element_type3A_272 = arith.extui %eq3A_271 : vector<512x1024xi1> to vector<512x1024xi16>
    %add3A_273 = arith.addi %add3A_267, %convert_element_type3A_272 : vector<512x1024xi16>
    %slice3A_274 = vector.extract_strided_slice %convert_element_type3A_247 {offsets = [4, 0], sizes = [1, 1024], strides = [1, 1]} : vector<32x1024xi16> to vector<1x1024xi16>
    %eq3A_275 = vector.broadcast %slice3A_274 : vector<1x1024xi16> to vector<512x1024xi16>
    %eq3A_276 = vector.broadcast %iota3A : vector<512x1xi16> to vector<512x1024xi16>
    %eq3A_277 = arith.cmpi eq, %eq3A_275, %eq3A_276 : vector<512x1024xi16>
    %convert_element_type3A_278 = arith.extui %eq3A_277 : vector<512x1024xi1> to vector<512x1024xi16>
    %add3A_279 = arith.addi %add3A_273, %convert_element_type3A_278 : vector<512x1024xi16>
    %slice3A_280 = vector.extract_strided_slice %convert_element_type3A_247 {offsets = [5, 0], sizes = [1, 1024], strides = [1, 1]} : vector<32x1024xi16> to vector<1x1024xi16>
    %eq3A_281 = vector.broadcast %slice3A_280 : vector<1x1024xi16> to vector<512x1024xi16>
    %eq3A_282 = vector.broadcast %iota3A : vector<512x1xi16> to vector<512x1024xi16>
    %eq3A_283 = arith.cmpi eq, %eq3A_281, %eq3A_282 : vector<512x1024xi16>
    %convert_element_type3A_284 = arith.extui %eq3A_283 : vector<512x1024xi1> to vector<512x1024xi16>
    %add3A_285 = arith.addi %add3A_279, %convert_element_type3A_284 : vector<512x1024xi16>
    %slice3A_286 = vector.extract_strided_slice %convert_element_type3A_247 {offsets = [6, 0], sizes = [1, 1024], strides = [1, 1]} : vector<32x1024xi16> to vector<1x1024xi16>
    %eq3A_287 = vector.broadcast %slice3A_286 : vector<1x1024xi16> to vector<512x1024xi16>
    %eq3A_288 = vector.broadcast %iota3A : vector<512x1xi16> to vector<512x1024xi16>
    %eq3A_289 = arith.cmpi eq, %eq3A_287, %eq3A_288 : vector<512x1024xi16>
    %convert_element_type3A_290 = arith.extui %eq3A_289 : vector<512x1024xi1> to vector<512x1024xi16>
    %add3A_291 = arith.addi %add3A_285, %convert_element_type3A_290 : vector<512x1024xi16>
    %slice3A_292 = vector.extract_strided_slice %convert_element_type3A_247 {offsets = [7, 0], sizes = [1, 1024], strides = [1, 1]} : vector<32x1024xi16> to vector<1x1024xi16>
    %eq3A_293 = vector.broadcast %slice3A_292 : vector<1x1024xi16> to vector<512x1024xi16>
    %eq3A_294 = vector.broadcast %iota3A : vector<512x1xi16> to vector<512x1024xi16>
    %eq3A_295 = arith.cmpi eq, %eq3A_293, %eq3A_294 : vector<512x1024xi16>
    %convert_element_type3A_296 = arith.extui %eq3A_295 : vector<512x1024xi1> to vector<512x1024xi16>
    %add3A_297 = arith.addi %add3A_291, %convert_element_type3A_296 : vector<512x1024xi16>
    %slice3A_298 = vector.extract_strided_slice %convert_element_type3A_247 {offsets = [8, 0], sizes = [1, 1024], strides = [1, 1]} : vector<32x1024xi16> to vector<1x1024xi16>
    %eq3A_299 = vector.broadcast %slice3A_298 : vector<1x1024xi16> to vector<512x1024xi16>
    %eq3A_300 = vector.broadcast %iota3A : vector<512x1xi16> to vector<512x1024xi16>
    %eq3A_301 = arith.cmpi eq, %eq3A_299, %eq3A_300 : vector<512x1024xi16>
    %convert_element_type3A_302 = arith.extui %eq3A_301 : vector<512x1024xi1> to vector<512x1024xi16>
    %add3A_303 = arith.addi %add3A_297, %convert_element_type3A_302 : vector<512x1024xi16>
    %slice3A_304 = vector.extract_strided_slice %convert_element_type3A_247 {offsets = [9, 0], sizes = [1, 1024], strides = [1, 1]} : vector<32x1024xi16> to vector<1x1024xi16>
    %eq3A_305 = vector.broadcast %slice3A_304 : vector<1x1024xi16> to vector<512x1024xi16>
    %eq3A_306 = vector.broadcast %iota3A : vector<512x1xi16> to vector<512x1024xi16>
    %eq3A_307 = arith.cmpi eq, %eq3A_305, %eq3A_306 : vector<512x1024xi16>
    %convert_element_type3A_308 = arith.extui %eq3A_307 : vector<512x1024xi1> to vector<512x1024xi16>
    %add3A_309 = arith.addi %add3A_303, %convert_element_type3A_308 : vector<512x1024xi16>
    %slice3A_310 = vector.extract_strided_slice %convert_element_type3A_247 {offsets = [10, 0], sizes = [1, 1024], strides = [1, 1]} : vector<32x1024xi16> to vector<1x1024xi16>
    %eq3A_311 = vector.broadcast %slice3A_310 : vector<1x1024xi16> to vector<512x1024xi16>
    %eq3A_312 = vector.broadcast %iota3A : vector<512x1xi16> to vector<512x1024xi16>
    %eq3A_313 = arith.cmpi eq, %eq3A_311, %eq3A_312 : vector<512x1024xi16>
    %convert_element_type3A_314 = arith.extui %eq3A_313 : vector<512x1024xi1> to vector<512x1024xi16>
    %add3A_315 = arith.addi %add3A_309, %convert_element_type3A_314 : vector<512x1024xi16>
    %slice3A_316 = vector.extract_strided_slice %convert_element_type3A_247 {offsets = [11, 0], sizes = [1, 1024], strides = [1, 1]} : vector<32x1024xi16> to vector<1x1024xi16>
    %eq3A_317 = vector.broadcast %slice3A_316 : vector<1x1024xi16> to vector<512x1024xi16>
    %eq3A_318 = vector.broadcast %iota3A : vector<512x1xi16> to vector<512x1024xi16>
    %eq3A_319 = arith.cmpi eq, %eq3A_317, %eq3A_318 : vector<512x1024xi16>
    %convert_element_type3A_320 = arith.extui %eq3A_319 : vector<512x1024xi1> to vector<512x1024xi16>
    %add3A_321 = arith.addi %add3A_315, %convert_element_type3A_320 : vector<512x1024xi16>
    %slice3A_322 = vector.extract_strided_slice %convert_element_type3A_247 {offsets = [12, 0], sizes = [1, 1024], strides = [1, 1]} : vector<32x1024xi16> to vector<1x1024xi16>
    %eq3A_323 = vector.broadcast %slice3A_322 : vector<1x1024xi16> to vector<512x1024xi16>
    %eq3A_324 = vector.broadcast %iota3A : vector<512x1xi16> to vector<512x1024xi16>
    %eq3A_325 = arith.cmpi eq, %eq3A_323, %eq3A_324 : vector<512x1024xi16>
    %convert_element_type3A_326 = arith.extui %eq3A_325 : vector<512x1024xi1> to vector<512x1024xi16>
    %add3A_327 = arith.addi %add3A_321, %convert_element_type3A_326 : vector<512x1024xi16>
    %slice3A_328 = vector.extract_strided_slice %convert_element_type3A_247 {offsets = [13, 0], sizes = [1, 1024], strides = [1, 1]} : vector<32x1024xi16> to vector<1x1024xi16>
    %eq3A_329 = vector.broadcast %slice3A_328 : vector<1x1024xi16> to vector<512x1024xi16>
    %eq3A_330 = vector.broadcast %iota3A : vector<512x1xi16> to vector<512x1024xi16>
    %eq3A_331 = arith.cmpi eq, %eq3A_329, %eq3A_330 : vector<512x1024xi16>
    %convert_element_type3A_332 = arith.extui %eq3A_331 : vector<512x1024xi1> to vector<512x1024xi16>
    %add3A_333 = arith.addi %add3A_327, %convert_element_type3A_332 : vector<512x1024xi16>
    %slice3A_334 = vector.extract_strided_slice %convert_element_type3A_247 {offsets = [14, 0], sizes = [1, 1024], strides = [1, 1]} : vector<32x1024xi16> to vector<1x1024xi16>
    %eq3A_335 = vector.broadcast %slice3A_334 : vector<1x1024xi16> to vector<512x1024xi16>
    %eq3A_336 = vector.broadcast %iota3A : vector<512x1xi16> to vector<512x1024xi16>
    %eq3A_337 = arith.cmpi eq, %eq3A_335, %eq3A_336 : vector<512x1024xi16>
    %convert_element_type3A_338 = arith.extui %eq3A_337 : vector<512x1024xi1> to vector<512x1024xi16>
    %add3A_339 = arith.addi %add3A_333, %convert_element_type3A_338 : vector<512x1024xi16>
    %slice3A_340 = vector.extract_strided_slice %convert_element_type3A_247 {offsets = [15, 0], sizes = [1, 1024], strides = [1, 1]} : vector<32x1024xi16> to vector<1x1024xi16>
    %eq3A_341 = vector.broadcast %slice3A_340 : vector<1x1024xi16> to vector<512x1024xi16>
    %eq3A_342 = vector.broadcast %iota3A : vector<512x1xi16> to vector<512x1024xi16>
    %eq3A_343 = arith.cmpi eq, %eq3A_341, %eq3A_342 : vector<512x1024xi16>
    %convert_element_type3A_344 = arith.extui %eq3A_343 : vector<512x1024xi1> to vector<512x1024xi16>
    %add3A_345 = arith.addi %add3A_339, %convert_element_type3A_344 : vector<512x1024xi16>
    %slice3A_346 = vector.extract_strided_slice %convert_element_type3A_247 {offsets = [16, 0], sizes = [1, 1024], strides = [1, 1]} : vector<32x1024xi16> to vector<1x1024xi16>
    %eq3A_347 = vector.broadcast %slice3A_346 : vector<1x1024xi16> to vector<512x1024xi16>
    %eq3A_348 = vector.broadcast %iota3A : vector<512x1xi16> to vector<512x1024xi16>
    %eq3A_349 = arith.cmpi eq, %eq3A_347, %eq3A_348 : vector<512x1024xi16>
    %convert_element_type3A_350 = arith.extui %eq3A_349 : vector<512x1024xi1> to vector<512x1024xi16>
    %add3A_351 = arith.addi %add3A_345, %convert_element_type3A_350 : vector<512x1024xi16>
    %slice3A_352 = vector.extract_strided_slice %convert_element_type3A_247 {offsets = [17, 0], sizes = [1, 1024], strides = [1, 1]} : vector<32x1024xi16> to vector<1x1024xi16>
    %eq3A_353 = vector.broadcast %slice3A_352 : vector<1x1024xi16> to vector<512x1024xi16>
    %eq3A_354 = vector.broadcast %iota3A : vector<512x1xi16> to vector<512x1024xi16>
    %eq3A_355 = arith.cmpi eq, %eq3A_353, %eq3A_354 : vector<512x1024xi16>
    %convert_element_type3A_356 = arith.extui %eq3A_355 : vector<512x1024xi1> to vector<512x1024xi16>
    %add3A_357 = arith.addi %add3A_351, %convert_element_type3A_356 : vector<512x1024xi16>
    %slice3A_358 = vector.extract_strided_slice %convert_element_type3A_247 {offsets = [18, 0], sizes = [1, 1024], strides = [1, 1]} : vector<32x1024xi16> to vector<1x1024xi16>
    %eq3A_359 = vector.broadcast %slice3A_358 : vector<1x1024xi16> to vector<512x1024xi16>
    %eq3A_360 = vector.broadcast %iota3A : vector<512x1xi16> to vector<512x1024xi16>
    %eq3A_361 = arith.cmpi eq, %eq3A_359, %eq3A_360 : vector<512x1024xi16>
    %convert_element_type3A_362 = arith.extui %eq3A_361 : vector<512x1024xi1> to vector<512x1024xi16>
    %add3A_363 = arith.addi %add3A_357, %convert_element_type3A_362 : vector<512x1024xi16>
    %slice3A_364 = vector.extract_strided_slice %convert_element_type3A_247 {offsets = [19, 0], sizes = [1, 1024], strides = [1, 1]} : vector<32x1024xi16> to vector<1x1024xi16>
    %eq3A_365 = vector.broadcast %slice3A_364 : vector<1x1024xi16> to vector<512x1024xi16>
    %eq3A_366 = vector.broadcast %iota3A : vector<512x1xi16> to vector<512x1024xi16>
    %eq3A_367 = arith.cmpi eq, %eq3A_365, %eq3A_366 : vector<512x1024xi16>
    %convert_element_type3A_368 = arith.extui %eq3A_367 : vector<512x1024xi1> to vector<512x1024xi16>
    %add3A_369 = arith.addi %add3A_363, %convert_element_type3A_368 : vector<512x1024xi16>
    %slice3A_370 = vector.extract_strided_slice %convert_element_type3A_247 {offsets = [20, 0], sizes = [1, 1024], strides = [1, 1]} : vector<32x1024xi16> to vector<1x1024xi16>
    %eq3A_371 = vector.broadcast %slice3A_370 : vector<1x1024xi16> to vector<512x1024xi16>
    %eq3A_372 = vector.broadcast %iota3A : vector<512x1xi16> to vector<512x1024xi16>
    %eq3A_373 = arith.cmpi eq, %eq3A_371, %eq3A_372 : vector<512x1024xi16>
    %convert_element_type3A_374 = arith.extui %eq3A_373 : vector<512x1024xi1> to vector<512x1024xi16>
    %add3A_375 = arith.addi %add3A_369, %convert_element_type3A_374 : vector<512x1024xi16>
    %slice3A_376 = vector.extract_strided_slice %convert_element_type3A_247 {offsets = [21, 0], sizes = [1, 1024], strides = [1, 1]} : vector<32x1024xi16> to vector<1x1024xi16>
    %eq3A_377 = vector.broadcast %slice3A_376 : vector<1x1024xi16> to vector<512x1024xi16>
    %eq3A_378 = vector.broadcast %iota3A : vector<512x1xi16> to vector<512x1024xi16>
    %eq3A_379 = arith.cmpi eq, %eq3A_377, %eq3A_378 : vector<512x1024xi16>
    %convert_element_type3A_380 = arith.extui %eq3A_379 : vector<512x1024xi1> to vector<512x1024xi16>
    %add3A_381 = arith.addi %add3A_375, %convert_element_type3A_380 : vector<512x1024xi16>
    %slice3A_382 = vector.extract_strided_slice %convert_element_type3A_247 {offsets = [22, 0], sizes = [1, 1024], strides = [1, 1]} : vector<32x1024xi16> to vector<1x1024xi16>
    %eq3A_383 = vector.broadcast %slice3A_382 : vector<1x1024xi16> to vector<512x1024xi16>
    %eq3A_384 = vector.broadcast %iota3A : vector<512x1xi16> to vector<512x1024xi16>
    %eq3A_385 = arith.cmpi eq, %eq3A_383, %eq3A_384 : vector<512x1024xi16>
    %convert_element_type3A_386 = arith.extui %eq3A_385 : vector<512x1024xi1> to vector<512x1024xi16>
    %add3A_387 = arith.addi %add3A_381, %convert_element_type3A_386 : vector<512x1024xi16>
    %slice3A_388 = vector.extract_strided_slice %convert_element_type3A_247 {offsets = [23, 0], sizes = [1, 1024], strides = [1, 1]} : vector<32x1024xi16> to vector<1x1024xi16>
    %eq3A_389 = vector.broadcast %slice3A_388 : vector<1x1024xi16> to vector<512x1024xi16>
    %eq3A_390 = vector.broadcast %iota3A : vector<512x1xi16> to vector<512x1024xi16>
    %eq3A_391 = arith.cmpi eq, %eq3A_389, %eq3A_390 : vector<512x1024xi16>
    %convert_element_type3A_392 = arith.extui %eq3A_391 : vector<512x1024xi1> to vector<512x1024xi16>
    %add3A_393 = arith.addi %add3A_387, %convert_element_type3A_392 : vector<512x1024xi16>
    %slice3A_394 = vector.extract_strided_slice %convert_element_type3A_247 {offsets = [24, 0], sizes = [1, 1024], strides = [1, 1]} : vector<32x1024xi16> to vector<1x1024xi16>
    %eq3A_395 = vector.broadcast %slice3A_394 : vector<1x1024xi16> to vector<512x1024xi16>
    %eq3A_396 = vector.broadcast %iota3A : vector<512x1xi16> to vector<512x1024xi16>
    %eq3A_397 = arith.cmpi eq, %eq3A_395, %eq3A_396 : vector<512x1024xi16>
    %convert_element_type3A_398 = arith.extui %eq3A_397 : vector<512x1024xi1> to vector<512x1024xi16>
    %add3A_399 = arith.addi %add3A_393, %convert_element_type3A_398 : vector<512x1024xi16>
    %slice3A_400 = vector.extract_strided_slice %convert_element_type3A_247 {offsets = [25, 0], sizes = [1, 1024], strides = [1, 1]} : vector<32x1024xi16> to vector<1x1024xi16>
    %eq3A_401 = vector.broadcast %slice3A_400 : vector<1x1024xi16> to vector<512x1024xi16>
    %eq3A_402 = vector.broadcast %iota3A : vector<512x1xi16> to vector<512x1024xi16>
    %eq3A_403 = arith.cmpi eq, %eq3A_401, %eq3A_402 : vector<512x1024xi16>
    %convert_element_type3A_404 = arith.extui %eq3A_403 : vector<512x1024xi1> to vector<512x1024xi16>
    %add3A_405 = arith.addi %add3A_399, %convert_element_type3A_404 : vector<512x1024xi16>
    %slice3A_406 = vector.extract_strided_slice %convert_element_type3A_247 {offsets = [26, 0], sizes = [1, 1024], strides = [1, 1]} : vector<32x1024xi16> to vector<1x1024xi16>
    %eq3A_407 = vector.broadcast %slice3A_406 : vector<1x1024xi16> to vector<512x1024xi16>
    %eq3A_408 = vector.broadcast %iota3A : vector<512x1xi16> to vector<512x1024xi16>
    %eq3A_409 = arith.cmpi eq, %eq3A_407, %eq3A_408 : vector<512x1024xi16>
    %convert_element_type3A_410 = arith.extui %eq3A_409 : vector<512x1024xi1> to vector<512x1024xi16>
    %add3A_411 = arith.addi %add3A_405, %convert_element_type3A_410 : vector<512x1024xi16>
    %slice3A_412 = vector.extract_strided_slice %convert_element_type3A_247 {offsets = [27, 0], sizes = [1, 1024], strides = [1, 1]} : vector<32x1024xi16> to vector<1x1024xi16>
    %eq3A_413 = vector.broadcast %slice3A_412 : vector<1x1024xi16> to vector<512x1024xi16>
    %eq3A_414 = vector.broadcast %iota3A : vector<512x1xi16> to vector<512x1024xi16>
    %eq3A_415 = arith.cmpi eq, %eq3A_413, %eq3A_414 : vector<512x1024xi16>
    %convert_element_type3A_416 = arith.extui %eq3A_415 : vector<512x1024xi1> to vector<512x1024xi16>
    %add3A_417 = arith.addi %add3A_411, %convert_element_type3A_416 : vector<512x1024xi16>
    %slice3A_418 = vector.extract_strided_slice %convert_element_type3A_247 {offsets = [28, 0], sizes = [1, 1024], strides = [1, 1]} : vector<32x1024xi16> to vector<1x1024xi16>
    %eq3A_419 = vector.broadcast %slice3A_418 : vector<1x1024xi16> to vector<512x1024xi16>
    %eq3A_420 = vector.broadcast %iota3A : vector<512x1xi16> to vector<512x1024xi16>
    %eq3A_421 = arith.cmpi eq, %eq3A_419, %eq3A_420 : vector<512x1024xi16>
    %convert_element_type3A_422 = arith.extui %eq3A_421 : vector<512x1024xi1> to vector<512x1024xi16>
    %add3A_423 = arith.addi %add3A_417, %convert_element_type3A_422 : vector<512x1024xi16>
    %slice3A_424 = vector.extract_strided_slice %convert_element_type3A_247 {offsets = [29, 0], sizes = [1, 1024], strides = [1, 1]} : vector<32x1024xi16> to vector<1x1024xi16>
    %eq3A_425 = vector.broadcast %slice3A_424 : vector<1x1024xi16> to vector<512x1024xi16>
    %eq3A_426 = vector.broadcast %iota3A : vector<512x1xi16> to vector<512x1024xi16>
    %eq3A_427 = arith.cmpi eq, %eq3A_425, %eq3A_426 : vector<512x1024xi16>
    %convert_element_type3A_428 = arith.extui %eq3A_427 : vector<512x1024xi1> to vector<512x1024xi16>
    %add3A_429 = arith.addi %add3A_423, %convert_element_type3A_428 : vector<512x1024xi16>
    %slice3A_430 = vector.extract_strided_slice %convert_element_type3A_247 {offsets = [30, 0], sizes = [1, 1024], strides = [1, 1]} : vector<32x1024xi16> to vector<1x1024xi16>
    %eq3A_431 = vector.broadcast %slice3A_430 : vector<1x1024xi16> to vector<512x1024xi16>
    %eq3A_432 = vector.broadcast %iota3A : vector<512x1xi16> to vector<512x1024xi16>
    %eq3A_433 = arith.cmpi eq, %eq3A_431, %eq3A_432 : vector<512x1024xi16>
    %convert_element_type3A_434 = arith.extui %eq3A_433 : vector<512x1024xi1> to vector<512x1024xi16>
    %add3A_435 = arith.addi %add3A_429, %convert_element_type3A_434 : vector<512x1024xi16>
    %slice3A_436 = vector.extract_strided_slice %convert_element_type3A_247 {offsets = [31, 0], sizes = [1, 1024], strides = [1, 1]} : vector<32x1024xi16> to vector<1x1024xi16>
    %eq3A_437 = vector.broadcast %slice3A_436 : vector<1x1024xi16> to vector<512x1024xi16>
    %eq3A_438 = vector.broadcast %iota3A : vector<512x1xi16> to vector<512x1024xi16>
    %eq3A_439 = arith.cmpi eq, %eq3A_437, %eq3A_438 : vector<512x1024xi16>
    %convert_element_type3A_440 = arith.extui %eq3A_439 : vector<512x1024xi1> to vector<512x1024xi16>
    %add3A_441 = arith.addi %add3A_435, %convert_element_type3A_440 : vector<512x1024xi16>
    %convert_element_type3A_442 = arith.sitofp %add3A_441 : vector<512x1024xi16> to vector<512x1024xf32>
    %gt3A_443 = arith.constant 0 : i16
    %gt3A_444 = vector.broadcast %gt3A_443 : i16 to vector<512x1024xi16>
    %gt3A_445 = arith.cmpi sgt, %add3A_441, %gt3A_444 : vector<512x1024xi16>
    %jit3A_446 = arith.constant 0xFF800000 : f32
    %broadcast_in_dim3A_447 = vector.broadcast %jit3A_446 : f32 to vector<512x1024xf32>
    %select_n3A_448 = arith.select %gt3A_445, %dot_general3A_13, %broadcast_in_dim3A_447 : vector<512x1024xi1>, vector<512x1024xf32>
    %reduce_max3A_449 = arith.constant dense<0xFF800000> : vector<1024xf32>
    %reduce_max3A_450 = vector.multi_reduction <maximumf>, %select_n3A_448, %reduce_max3A_449 [0] : vector<512x1024xf32> to vector<1024xf32>
    %broadcast_in_dim3A_451 = vector.shape_cast %reduce_max3A_450 : vector<1024xf32> to vector<1x1024xf32>
    %sub3A_452 = vector.broadcast %broadcast_in_dim3A_451 : vector<1x1024xf32> to vector<512x1024xf32>
    %sub3A_453 = arith.subf %select_n3A_448, %sub3A_452 : vector<512x1024xf32>
    %exp3A_454 = math.exp %sub3A_453 : vector<512x1024xf32>
    %mul3A_455 = arith.mulf %convert_element_type3A_442, %exp3A_454 : vector<512x1024xf32>
    %reduce_sum3A_456 = arith.constant dense<0.000000e+00> : vector<1024xf32>
    %reduce_sum3A_457 = vector.multi_reduction <add>, %mul3A_455, %reduce_sum3A_456 [0] : vector<512x1024xf32> to vector<1024xf32>
    %broadcast_in_dim3A_458 = vector.shape_cast %reduce_sum3A_457 : vector<1024xf32> to vector<1x1024xf32>
    %div3A_459 = vector.broadcast %broadcast_in_dim3A_458 : vector<1x1024xf32> to vector<512x1024xf32>
    %div3A_460 = arith.divf %mul3A_455, %div3A_459 : vector<512x1024xf32>
    %dot_general3A_461 = arith.constant dense<0.000000e+00> : vector<1024x128xf32>
    %dot_general3A_462 = tpu.matmul %div3A_460, %get3A_7, %dot_general3A_461 {dimension_numbers = #tpu.dot_dimension_numbers<[0], [0], [1], [1], [0, 1, 1, 1], [], []>, transpose_lhs_hint = false} : vector<512x1024xf32>, vector<512x128xf32>, vector<1024x128xf32> -> vector<1024x128xf32>
    %dot_general3A_463 = arith.constant dense<0.000000e+00> : vector<1024x128xf32>
    %dot_general3A_464 = tpu.matmul %dot_general3A_462, %get3A_16, %dot_general3A_463 {dimension_numbers = #tpu.dot_dimension_numbers<[1], [1], [0], [0], [0, 0, 1, 0], [], []>, transpose_lhs_hint = false} : vector<1024x128xf32>, vector<128x128xf32>, vector<1024x128xf32> -> vector<1024x128xf32>
    %dot_general3A_465 = arith.constant dense<0.000000e+00> : vector<1024x128xf32>
    %dot_general3A_466 = tpu.matmul %get3A_4, %get3A_19, %dot_general3A_465 {dimension_numbers = #tpu.dot_dimension_numbers<[1], [1], [0], [0], [0, 0, 1, 0], [], []>, transpose_lhs_hint = false} : vector<1024x128xf32>, vector<128x128xf32>, vector<1024x128xf32> -> vector<1024x128xf32>
    %add3A_467 = arith.addf %dot_general3A_464, %dot_general3A_466 : vector<1024x128xf32>
    %add3A_468 = vector.broadcast %get3A_22 : vector<1x128xf32> to vector<1024x128xf32>
    %add3A_469 = arith.addf %add3A_467, %add3A_468 : vector<1024x128xf32>
    %max3A_470 = arith.constant 0.000000e+00 : f32
    %max3A_471 = vector.broadcast %max3A_470 : f32 to vector<1024x128xf32>
    %max3A_472 = arith.maximumf %add3A_469, %max3A_471 : vector<1024x128xf32>
    %reshape3A_473 = vector.shape_cast %max3A_472 : vector<1024x128xf32> to vector<8x128x128xf32>
    %swap3A_474 = arith.constant 0 : index
    %swap3A_475 = arith.constant 0 : index
    %swap3A_476 = arith.constant 1 : index
    %swap3A_477 = arith.constant 0 : index
    %swap3A_478 = vector.load %arg10[%swap3A_474, %swap3A_475, %swap3A_476, %swap3A_477] : memref<8x128x2x128xf32, #tpu.memory_space<vmem>>, vector<8x128x1x128xf32>
    %swap3A_479 = vector.shape_cast %swap3A_478 : vector<8x128x1x128xf32> to vector<8x128x128xf32>
    %swap3A_480 = vector.shape_cast %reshape3A_473 : vector<8x128x128xf32> to vector<8x128x1x128xf32>
    tpu.vector_store %arg10[%swap3A_474, %swap3A_475, %swap3A_476, %swap3A_477], %swap3A_480 {strides = array<i32>} : memref<8x128x2x128xf32, #tpu.memory_space<vmem>>, vector<8x128x1x128xf32>,
    return
  }
  func.func @transform_0(%arg0: i32) -> (i32, i32) {
    %c0_i32 = arith.constant 0 : i32
    %c0_i32_0 = arith.constant 0 : i32
    return %arg0, %c0_i32 : i32, i32
  }
  func.func @transform_1(%arg0: i32) -> (i32, i32) {
    %add3A = arith.constant 2 : i32
    %add3A_0 = arith.addi %add3A, %arg0 : i32
    %c0_i32 = arith.constant 0 : i32
    %c0_i32_1 = arith.constant 0 : i32
    return %add3A_0, %c0_i32 : i32, i32
  }
  func.func @transform_2(%arg0: i32) -> (i32, i32) {
    %c0_i32 = arith.constant 0 : i32
    %c0_i32_0 = arith.constant 0 : i32
    return %c0_i32, %arg0 : i32, i32
  }
  func.func @transform_3(%arg0: i32) -> (i32, i32) {
    %add3A = arith.constant 2 : i32
    %add3A_0 = arith.addi %add3A, %arg0 : i32
    %c0_i32 = arith.constant 0 : i32
    %c0_i32_1 = arith.constant 0 : i32
    return %c0_i32, %add3A_0 : i32, i32
  }
  func.func @transform_4(%arg0: i32) -> (i32, i32) {
    %c0_i32 = arith.constant 0 : i32
    %c0_i32_0 = arith.constant 0 : i32
    %c0_i32_1 = arith.constant 0 : i32
    return %c0_i32, %c0_i32_0 : i32, i32
  }
  func.func @transform_5(%arg0: i32) -> (i32, i32) {
    %c0_i32 = arith.constant 0 : i32
    %c0_i32_0 = arith.constant 0 : i32
    %c0_i32_1 = arith.constant 0 : i32
    return %c0_i32, %c0_i32_0 : i32, i32
  }
  func.func @transform_6(%arg0: i32) -> (i32, i32) {
    %c0_i32 = arith.constant 0 : i32
    %c0_i32_0 = arith.constant 0 : i32
    %c0_i32_1 = arith.constant 0 : i32
    return %c0_i32, %c0_i32_0 : i32, i32
  }
  func.func @transform_7(%arg0: i32) -> (i32, i32) {
    %c0_i32 = arith.constant 0 : i32
    %c0_i32_0 = arith.constant 0 : i32
    %c0_i32_1 = arith.constant 0 : i32
    return %c0_i32, %c0_i32_0 : i32, i32
  }
  func.func @transform_8(%arg0: i32) -> (i32, i32) {
    %c0_i32 = arith.constant 0 : i32
    %c0_i32_0 = arith.constant 0 : i32
    %c0_i32_1 = arith.constant 0 : i32
    return %c0_i32, %c0_i32_0 : i32, i32
  }
  func.func @transform_9(%arg0: i32) -> (i32, i32, i32, i32) {
    %c0_i32 = arith.constant 0 : i32
    %c0_i32_0 = arith.constant 0 : i32
    %c0_i32_1 = arith.constant 0 : i32
    %c0_i32_2 = arith.constant 0 : i32
    return %arg0, %c0_i32, %c0_i32_0, %c0_i32_1 : i32, i32, i32, i32
  }
}

</mosaic_0001>

<sc_bundles>
// kernel: kernel.4.cloned.1.call-start
scs
__scs_entry_jumppad:
0x0: {  	(pc) =	sbr.rel $0x88, $3  }
0x1: {  	(tag) =	ssettag $0x0;
	lr =	simm.s32 $0x1  }
0x2: {  	[smem:$0x3F98] =	sst lr;
	_ =	strace $0xD0000000  }
0x3: {  	_ = 	snop  }
0x4: {  	_ = 	snop  }
0x5: {  	_ = 	snop  }
0x6: {  	_ = 	snop  }
0x7: {  	_ = 	snop  }
__scs_overlays_trampoline_lowered:
0x8: {  	[smem:$0x3FA7] =	sst s0  }
0x9: {  	[smem:$0x3FA8] =	sst s1  }
0xa: {  	[smem:$0x3FA9] =	sst s2  }
0xb: {  	[smem:$0x3FAA] =	sst s3  }
0xc: {  	[smem:$0x3FAB] =	sst s4  }
0xd: {  	[smem:$0x3FAC] =	sst s5  }
0xe: {  	[smem:$0x3FAD] =	sst s6  }
0xf: {  	[smem:$0x3FAE] =	sst s7  }
0x10: {  	[smem:$0x3FAF] =	sst s8  }
0x11: {  	[smem:$0x3FB0] =	sst s9;
	s0 =	simm.s32 @!p0 $0x0  }
0x12: {  	s1 =	sld [smem:$0x3F96];
	s0 =	simm.s32 @p0 $0x1  }
0x13: {  	[smem:$0x3FB1] =	sst s0;
	s0 =	simm.s32 @!p1 $0x0  }
0x14: {  	s2 =	sld [smem:$0x3F95];
	s0 =	simm.s32 @p1 $0x1  }
0x15: {  	[smem:$0x3FB2] =	sst s0;
	s0 =	simm.s32 @!p2 $0x0  }
0x16: {  	s3 =	sld [smem:$0x3FDB];
	s0 =	simm.s32 @p2 $0x1  }
0x17: {  	s4 =	simm.s32 $0x1BF5;
	[smem:$0x3FB4] =	sst s0  }
0x18: {  	s0 =	sld [smem:$0x3F97];
	_ =	swait.ge [sflag:s4], $0x0  }
0x19: {  	s7 =	sld [smem:$0x3F98]  }
0x1a: {  	s8 =	sadd.s32 $0xFFFFE003, lr  }
0x1b: {  	s9 =	sadd.s32 $0xFFFFFEF7, lr;
	s5 =	simm.s32 $0xFFFFFFFF;
	p2 =	slt.u32 s8, $0xFFFFF086  }
0x1c: {  	p1 =	slt.u32 s9, $0xF7A;
	s5 =	simm.s32 @!p2 $0x0  }
0x1d: {  	s5 =	simm.s32 @p1 $0x1;
	p0 =	seq.s32 s7, s2  }
0x1e: {  	s7 =	smul.u32 @!p0 $0xF7A, s2;
	p2 =	seq.s32 @!p0 s5, $0x0  }
0x1f: {  	s9 =	smul.u32 $0xF7A, s1;
	s8 =	simm.s32 @!p0 $0x1BF5;
	p2 =	por !p2, p0  }
0x20: {  	[sflag:s8] =	ssyncset.s32 @!p0 $0xFFFFF086;
	s6 =	sadd.s32 @!p0 s3, s7;
	s7 =	simm.s32 @!p0 $0x108  }
0x21: {  	s3 =	sadd.s32 s3, s9;
	s6 =	sadd.s32 @!p0 $0x88, s6;
	s7 =	simm.s32 @p2 $0x1082  }
0x22: {  	[simem:s7], [sflag:s8] =	dma.local @!p0 [hbm:s6], $0xF7A  }
0x23: {  	s9 =	sor.u32 $0xD0000000, s2;
	s6 =	simm.s32 $0x108;
	_ =	swait.ge @!p0 [sflag:s8], $0x0  }
0x24: {  	s3 =	sadd.s32 $0x88, s3;
	s6 =	simm.s32 @!p1 $0x1082;
	[sflag:s4] =	ssyncset.s32 $0xFFFFF086  }
0x25: {  	[simem:s6], [sflag:s4] =	dma.local [hbm:s3], $0xF7A  }
0x26: {  	[smem:$0x3F98] =	sst s1;
	(tag) =	ssettag s2;
	_ =	strace s9  }
0x27: {  	s1 =	sld [smem:$0x3FA8]  }
0x28: {  	s2 =	sld [smem:$0x3FA9]  }
0x29: {  	s4 =	sld [smem:$0x3FAB]  }
0x2a: {  	p0 =	seq.s32 s5, $0x0;
	s5 =	sld [smem:$0x3FAC]  }
0x2b: {  	s6 =	sld [smem:$0x3FAD]  }
0x2c: {  	s7 =	sld [smem:$0x3FAE]  }
0x2d: {  	s3 =	simm.s32 $0x108;
	s8 =	sld [smem:$0x3FAF]  }
0x2e: {  	s3 =	simm.s32 @!p0 $0x1082;
	s9 =	sld [smem:$0x3FB0]  }
0x2f: {  	lr =	sadd.s32 s0, s3;
	s0 =	sld [smem:$0x3FA7]  }
0x30: {  	s3 =	sld [smem:$0x3FAA]  }
0x31: {  	[smem:$0x3FB3] =	sst s10  }
0x32: {  	s10 =	sld [smem:$0x3FB1];
	_ =	sdelay $0x3  }
0x33: {  	p0 =	seq.s32 s10, $0x1;
	s10 =	sld [smem:$0x3FB3];
	_ =	sdelay $0x3  }
0x34: {  	[smem:$0x3FB3] =	sst s10  }
0x35: {  	s10 =	sld [smem:$0x3FB2];
	_ =	sdelay $0x3  }
0x36: {  	p1 =	seq.s32 s10, $0x1;
	s10 =	sld [smem:$0x3FB3];
	_ =	sdelay $0x3  }
0x37: {  	[smem:$0x3FB3] =	sst s10  }
0x38: {  	s10 =	sld [smem:$0x3FB4]  }
0x39: {  	_ = 	snop;
	(pc) =	sbr.ind lr, $3  }
0x3a: {  	_ = 	snop  }
0x3b: {  	_ = 	snop  }
0x3c: {  	p2 =	seq.s32 s10, $0x1;
	s10 =	sld [smem:$0x3FB3]  }
0x3d: {  	_ =	shalt  }
0x3e: {  	_ =	shalt  }
0x3f: {  	_ =	shalt  }
0x40: {  	_ =	shalt  }
0x41: {  	_ =	shalt  }
0x42: {  	_ =	shalt  }
0x43: {  	_ =	shalt  }
0x44: {  	_ =	shalt  }
0x45: {  	_ =	shalt  }
0x46: {  	_ =	shalt  }
0x47: {  	_ =	shalt  }
0x48: {  	_ =	shalt  }
0x49: {  	_ =	shalt  }
0x4a: {  	_ =	shalt  }
0x4b: {  	_ =	shalt  }
0x4c: {  	_ =	shalt  }
0x4d: {  	_ =	shalt  }
0x4e: {  	_ =	shalt  }
0x4f: {  	_ =	shalt  }
0x50: {  	_ =	shalt  }
0x51: {  	_ =	shalt  }
0x52: {  	_ =	shalt  }
0x53: {  	_ =	shalt  }
0x54: {  	_ =	shalt  }
0x55: {  	_ =	shalt  }
0x56: {  	_ =	shalt  }
0x57: {  	_ =	shalt  }
0x58: {  	_ =	shalt  }
0x59: {  	_ =	shalt  }
0x5a: {  	_ =	shalt  }
0x5b: {  	_ =	shalt  }
0x5c: {  	_ =	shalt  }
0x5d: {  	_ =	shalt  }
0x5e: {  	_ =	shalt  }
0x5f: {  	_ =	shalt  }
0x60: {  	_ =	shalt  }
0x61: {  	_ =	shalt  }
0x62: {  	_ =	shalt  }
0x63: {  	_ =	shalt  }
0x64: {  	_ =	shalt  }
0x65: {  	_ =	shalt  }
0x66: {  	_ =	shalt  }
0x67: {  	_ =	shalt  }
0x68: {  	_ =	shalt  }
0x69: {  	_ =	shalt  }
0x6a: {  	_ =	shalt  }
0x6b: {  	_ =	shalt  }
0x6c: {  	_ =	shalt  }
0x6d: {  	_ =	shalt  }
0x6e: {  	_ =	shalt  }
0x6f: {  	_ =	shalt  }
0x70: {  	_ =	shalt  }
0x71: {  	_ =	shalt  }
0x72: {  	_ =	shalt  }
0x73: {  	_ =	shalt  }
0x74: {  	_ =	shalt  }
0x75: {  	_ =	shalt  }
0x76: {  	_ =	shalt  }
0x77: {  	_ =	shalt  }
0x78: {  	_ =	shalt  }
0x79: {  	_ =	shalt  }
0x7a: {  	_ =	shalt  }
0x7b: {  	_ =	shalt  }
0x7c: {  	_ =	shalt  }
0x7d: {  	_ =	shalt  }
0x7e: {  	_ =	shalt  }
0x7f: {  	_ =	shalt  }
0x80: {  	_ =	shalt  }
0x81: {  	_ =	shalt  }
0x82: {  	_ =	shalt  }
0x83: {  	_ =	shalt  }
0x84: {  	_ =	shalt  }
0x85: {  	_ =	shalt  }
0x86: {  	_ =	shalt  }
0x87: {  	_ =	shalt  }
.Lfunc_end0:
.L_simem_size_0:
called_computation_lowered:
.L_overlay_start_0:
0x88: {  	s2 =	sld [smem:$0x3FD9]  }
0x89: {  	s3 =	sld [smem:$0x3FFE];
	_ =	sdelay $0x1  }
0x8a: {  	s1 =	srdreg.scid  }
0x8b: {  	s0 =	sand.u32 $0x1, s1  }
0x8c: {  	s17 =	sshll.u32 s0, $0xA;
	s2 =	sadd.s32 s3, s2  }
0x8d: {  	s2 =	sadd.s32 s2, s17  }
0x8e: {  	[smem:$0x3FBF] =	sst s2  }
0x8f: {  	_ = 	snop  }
0x90: {  	s2 =	sld [smem:$0x3FC8]  }
0x91: {  	s18 =	sld [smem:$0x3FC7]  }
0x92: {  	s4 =	sld [smem:$0x3FD0];
	(tm) =	ssettm $0x1  }
0x93: {  	s5 =	sld [smem:$0x3FFB];
	_ =	sdelay $0x3  }
0x94: {  	_ =	strace s5  }
0x95: {  	s5 =	sld [smem:$0x3FFC];
	_ =	sdelay $0x3  }
0x96: {  	_ =	strace s5  }
0x97: {  	s5 =	sld [smem:$0x3FFD];
	_ =	sdelay $0x3  }
0x98: {  	_ =	strace s5  }
0x99: {  	_ =	strace $0x8FFFFFFF  }
0x9a: {  	s19 =	sld [smem:$0x3FDB];
	_ =	sdelay $0x1  }
0x9b: {  	s6 =	simm.s32 $_scs_section_size  }
0x9c: {  	s7 =	simm.s32 $_size__tile_overlayer_lowered;
	s8 =	simm.s32 $_tile_overlayer_lowered  }
0x9d: {  	s22 =	simm.s32 $0x1BFF;
	s21 =	sshll.u32 s8, $0x1;
	s5 =	sadd.s32 s6, s19  }
0x9e: {  	s9 =	simm.s32 $0x0;
	s20 =	sshll.u32 s7, $0x1;
	s7 =	sadd.s32 s21, s5  }
0x9f: {  	[timem:s9], [sflag:s22] =	dma.local [hbm:s7], s20  }
0xa0: {  	_ =	swait.ge [sflag:s22], s20  }
0xa1: {  	s6 =	ssub.s32 $0x0, s20;
	[sflag:s22] =	ssyncset.done $0x0  }
0xa2: {  	[sflag:s22] =	ssyncadd.s32 s6;
	_ =	sdelay $0x1  }
0xa3: {  	s23 =	simm.s32 $0x1B8B  }
0xa4: {  	_ =	swait.ge [sflag:s23], $0x1  }
0xa5: {  	[sflag:s23] =	ssyncset.done $0x0  }
0xa6: {  	s25 =	simm.s32 $0x1B8E;
	s24 =	sld [smem:$0x3FFE];
	[sflag:s23] =	ssyncadd.s32 $0xFFFFFFFF  }
0xa7: {  	s26 =	simm.s32 $execute0_lowered;
	[smem:$0x3FD2] =	sst s25  }
0xa8: {  	s7 =	sshll.u32 s26, $0x1;
	_ =	strace $0x80000046;
	[dreg:$0x1] =	wrdreg $0xFFFFFFFF  }
0xa9: {  	s28 =	simm.s32 $_size_execute0_lowered;
	s5 =	sadd.s32 s5, s7;
	[dreg:$0x0] =	wrdreg $0x0  }
0xaa: {  	s7 =	sshll.u32 s28, $0x1;
	[dreg:$0x2] =	wrdreg s5  }
0xab: {  	[dreg:$0x3] =	wrdreg s7  }
0xac: {  	[dreg:$0x4] =	wrdreg $0xC0  }
0xad: {  	_ =	task [dreg:s9], $0x5FFFF  }
0xae: {  	[dreg:$0x1] =	wrdreg $0xFFFFFFFF  }
0xaf: {  	[dreg:$0x0] =	wrdreg $0x60  }
0xb0: {  	[dreg:$0x2] =	wrdreg s18  }
0xb1: {  	[dreg:$0x3] =	wrdreg s2  }
0xb2: {  	[dreg:$0x4] =	wrdreg s24  }
0xb3: {  	[dreg:$0x5] =	wrdreg s4  }
0xb4: {  	[dreg:$0x6] =	wrdreg $0x9  }
0xb5: {  	_ =	task.clear_ibuf [dreg:s9], $0x7FFFF;
	_ =	strace $0x90000046  }
0xb6: {  	s29 =	simm.s32 $0x9;
	_ =	strace $0x80000048  }
0xb7: {  	_ =	swait.ge [sflag:s29], $0x1  }
0xb8: {  	[sflag:s29] =	ssyncadd.s32 $0xFFFFFFFF  }
0xb9: {  	_ =	strace $0x90000048  }
0xba: {  	_ =	sfence  }
0xbb: {  	s30 =	sld [smem:$0x0];
	_ =	sdelay $0x2  }
0xbc: {  	s31 =	sshll.u32 s1, $0xD;
	s1 =	sshrl.u32 s1, $0x2  }
0xbd: {  	s3 =	sand.u32 $0x4000, s31;
	s1 =	sadd.s32 s1, s30  }
0xbe: {  	s0 =	sor.u32 s3, s0;
	s1 =	sshll.u32 s1, $0x11  }
0xbf: {  	s0 =	sor.u32 s1, s0  }
0xc0: {  	s0 =	sadd.s32 $0x8F2B, s0  }
0xc1: {  	[sflag:s0] =	ssyncadd.remote.s32 $0x1  }
0xc2: {  	_ =	sfence.sel $0xFFFF  }
0xc3: {  	[dreg:$0x0] =	wrdreg $0xFFFFFFFF;
	(pc) =	sbr.abs _section_cstart, $3  }
0xc4: {  	[dreg:$0x1] =	wrdreg $0xFFFFFFFF  }
0xc5: {  	_ =	task.clear_ibuf [dreg:s9], $0x2FFFF;
	_ =	strace $0x9FFFFFFF  }
0xc6: {  	(tm) =	ssettm $0x7FFFFFFF  }
0xc7: {  	_ =	shalt  }
tec
execute0_lowered:
.L_overlay_start_1:
0x0: {  	(tag) =	ssettag $0x1  }
0x1: {  	s1 =	rddreg [dreg:$0x0]  }
0x2: {  	s5 =	rddreg [dreg:$0x1]  }
0x3: {  	s6 =	rddreg [dreg:$0x2]  }
0x4: {  	s8 =	rddreg [dreg:$0x3]  }
0x5: {  	s0 =	rddreg [dreg:$0x4]  }
0x6: {  	s3 =	simm.s32 $0x0;
	s2 =	stileid.u32;
	s7 =	srdreg.scid  }
0x7: {  	s14 =	simm.s32 $0x1A700;
	s15 =	simm.s32 $0x2;
	s16 =	simm.s32 $0x400  }
0x8: {  	s17 =	simm.s32 $0x19700;
	s18 =	simm.s32 $0x1;
	s19 =	simm.s32 $0x3  }
0x9: {  	s20 =	simm.s32 $0x0;
	[smem:$0x7FF] =	sst s3;
	s4 =	sadd.s32 $0x1A00, s6  }
0xa: {  	s9 =	sshll.u32 s2, $0xA;
	s7 =	sand.u32 $0x1, s7;
	s10 =	sshll.u32 s2, $0x1  }
0xb: {  	_ =	strace $0x80000047;
	s11 =	ssub.s32 $0x2, s7;
	s7 =	sor.u32 s7, s10  }
0xc: {  	s9 =	sand.u32 $0x3000, s9;
	s28 =	sshrl.u32 s11, $0x1;
	s12 =	smul.u32 $0x61C0, s7  }
0xd: {  	s13 =	sshll.u32 s7, $0x4;
	s6 =	sadd.s32 s9, s6;
	s31 =	sshll.u32 s7, $0xB  }
0xe: {  	s29 =	ssub.s32 s11, s28;
	s30 =	sand.u32 $0x70, s13;
	s8 =	sadd.s32 s8, s31  }
0xf: {  	s11 =	simm.s32 $0x100;
	s13 =	simm.s32 $0x4;
	s5 =	sadd.s32 s5, s12  }
0x10: {  	s10 =	sadd.s32 s30, s6;
	s6 =	sshll.u32 s7, $0x7;
	s9 =	smax.u32 s29, $0x1  }
0x11: {  	s12 =	simm.s32 $0x1000;
	s7 =	sadd.s32 $0x1C00, s10;
	s10 =	simm.s32 $0x80  }
.LBB2_1:
0x12: {  	[tilespmem:s12], [sflag:$0x2] =	stream.strided.gather [hbm4b:s5+s10], $0x18700, s11, s10, $0x38;
	[tilespmem:$0x1E700] =	vst v63  }
0x13: {  	_ = 	snop  }
0x14: {  	[tilespmem:s3], [sflag:$0x4] =	stream.linear.gather [hbm4b:s4+s3], $0x1000, $0x38;
	[tilespmem:$0x1E700] =	vst v63  }
0x15: {  	_ =	swait.ge [sflag:s13], $0x1000  }
0x16: {  	[sflag:s13] =	ssyncset.done $0x0  }
0x17: {  	[sflag:s13] =	ssyncadd.s32 $0xFFFFF000  }
0x18: {  	[tilespmem:s14], [sflag:$0x1] =	stream.indirect.gather [hbm4b:s1+s10], $0x80, s6, s10, $0xb8;
	[tilespmem:$0x1E700] =	vst v63  }
0x19: {  	_ =	swait.ge [sflag:s15], $0x18700  }
0x1a: {  	s21 =	simm.s32 $0xFFFFFFFE;
	[sflag:s15] =	ssyncset.done $0x0  }
0x1b: {  	s22 =	simm.s32 $0x19710;
	s23 =	simm.s32 $0x10;
	[sflag:s15] =	ssyncadd.s32 $0xFFFE7900  }
.LBB2_2:
0x1c: {  	v0 =	vld [tilespmem:s23+$0xFFFFFFF0];
	_ =	sdelay $0x7  }
0x1d: {  	v0 =	vld.idx.msk [tilespmem:v0+s12+$0x0], $0xffff;
	_ =	sdelay $0x4  }
0x1e: {  	[tilespmem:s22+$0xFFFFFFF0] =	vst v0  }
0x1f: {  	v0 =	vld [tilespmem:s23+$0x0];
	_ =	sdelay $0x6  }
0x20: {  	s21 =	sadd.s32 $0x2, s21  }
0x21: {  	p0 =	slt.u32 s21, $0xFE;
	v0 =	vld.idx.msk [tilespmem:v0+s12+$0x0], $0xffff  }
.Ltmp0:
0x22: {  	_ = 	snop;
	(pc) =	sbr.rel @p0 .LBB2_2-.Ltmp0, $2  }
0x23: {  	_ =	sdelay $0x2  }
0x24: {  	s23 =	sadd.s32 $0x20, s23;
	[tilespmem:s22+$0x0] =	vst v0;
	s22 =	sadd.s32 $0x20, s22  }
0x25: {  	[hbm4b:s7+s10] =	stream.strided.scatter [tilespmem:s17], [sflag:$0x3], $0x1000, s16, s10, $0x38;
	[tilespmem:$0x1E700] =	vst v63  }
0x26: {  	_ =	swait.ge [sflag:s18], $0x4000  }
0x27: {  	[sflag:s18] =	ssyncset.done $0x0  }
0x28: {  	s20 =	sadd.s32 $0x1, s20;
	[sflag:s18] =	ssyncadd.s32 $0xFFFFC000  }
0x29: {  	[hbm4b:s8+s3] =	stream.linear.scatter [tilespmem:s14], [sflag:$0x4], $0x4000, $0x38;
	[tilespmem:$0x1E700] =	vst v63  }
0x2a: {  	p0 =	sne.s32 s20, s9;
	_ =	swait.ge [sflag:s13], $0x4000  }
.Ltmp1:
0x2b: {  	[sflag:s13] =	ssyncset.done $0x0;
	(pc) =	sbr.rel @p0 .LBB2_1-.Ltmp1, $4  }
0x2c: {  	[sflag:s13] =	ssyncadd.s32 $0xFFFFC000  }
0x2d: {  	_ =	swait.ge [sflag:s19], $0x1000  }
0x2e: {  	[sflag:s19] =	ssyncset.done $0x0  }
0x2f: {  	[sflag:s19] =	ssyncadd.s32 $0xFFFFF000  }
0x30: {  	_ =	sfence.sel $0x180000  }
0x31: {  	[bflag:$0x0] =	sbarrier.arrive $0xFFFF  }
0x32: {  	p0 =	sne.s32 s2, $0x0;
	_ =	strace $0x90000047  }
0x33: {  	s0 =	sadd.s32 @!p0 $0x100000, s0;
	[bflag:$0x2] =	sbarrier.arrive $0xFFFF  }
0x34: {  	[sflag:s0] =	ssyncadd.tile.s32 @!p0 $0x1;
	_ =	shalt  }
.Lfunc_end2:
_tile_overlayer_lowered:
.L_overlay_start_2:
0x35: {  	(tag) =	ssettag $0x2  }
0x36: {  	s0 =	rddreg [dreg:$0x0];
	s2 =	stileid.u32  }
0x37: {  	s1 =	rddreg [dreg:$0x1];
	p0 =	sne.s32 s2, $0x0  }
0x38: {  	s3 =	rddreg [dreg:$0x2];
	[bflag:$0x3] =	sbarrier.arrive $0xFFFF;
	s2 =	simm.s32 @!p0 $0x1C04  }
0x39: {  	[timem:s3], [sflag:s2] =	dma.local @!p0 [hbm:s0], s1  }
0x3a: {  	s0 =	simm.s32 @!p0 $0x4  }
0x3b: {  	_ =	swait.ge @!p0 [sflag:s0], s1  }
0x3c: {  	s1 =	ssub.s32 @!p0 $0x0, s1;
	[sflag:s0] =	ssyncset.done @!p0 $0x0  }
0x3d: {  	[sflag:s0] =	ssyncadd.s32 @!p0 s1  }
0x3e: {  	[bflag:$0x3] =	sbarrier.arrive $0xFFFF  }
0x3f: {  	_ =	shalt  }

</sc_bundles>
